<compile_context>
chip_gen: v7x
topology: tpu7x:2x2x1
jax: 0.10.2.dev20260603
libtpu: 0.0.44.dev20260713+nightly
codegen_flags: <defaults>
</compile_context>

<pallas_src>
import jax
import jax.numpy as jnp
from jax import lax
from jax.experimental import pallas as pl
from jax.experimental.pallas import tpu as pltpu
from jax.experimental.pallas import tpu_sc as plsc

NC = 2
NS = 16
LANES = 128
CB = 2


def _round_up(a, m):
    return (a + m - 1) // m * m


def _deg_body(dst2, deg2, stage_sp, deg_loc, dstrow_v, red_v, degred_v):
    c = lax.axis_index("c")
    s = lax.axis_index("s")
    w = c * NS + s
    npad = deg_loc.shape[0]
    npt = npad // NS
    erows = dst2.shape[0]
    rows_per_tile = erows // (NC * NS)

    def zero(i, _):
        deg_loc[pl.ds(i * 16, 16)] = jnp.zeros((16,), jnp.float32)
        return 0

    lax.fori_loop(0, npad // 16, zero, 0)

    base = w * rows_per_tile
    pltpu.sync_copy(dst2.at[pl.ds(base, rows_per_tile)], dstrow_v)

    def step(i, _):
        for g in range(LANES // 16):
            d16 = dstrow_v[i, pl.ds(g * 16, 16)]
            cnt, last = plsc.scan_count(d16)
            plsc.addupdate_scatter(
                deg_loc, [d16], cnt.astype(jnp.float32), mask=last)
        return 0

    lax.fori_loop(0, rows_per_tile, step, 0)

    pltpu.sync_copy(deg_loc, stage_sp.at[s])
    plsc.subcore_barrier()
    nds = pl.ds(s * npt, npt)
    pltpu.sync_copy(stage_sp.at[:, nds], red_v)

    def red(i, _):
        acc = jnp.zeros((16,), jnp.float32)
        for t in range(NS):
            acc = acc + red_v[t, pl.ds(i * 16, 16)]
        degred_v[pl.ds(i * 16, 16)] = acc
        return 0

    lax.fori_loop(0, npt // 16, red, 0)
    pltpu.sync_copy(degred_v, deg2.at[c].at[nds])


def _tc_body(x_ref, w_ref, u_ref, degp_ref, hs_ref, dinv_ref):
    W = w_ref[...]
    u2d = u_ref[...].reshape(1, -1)
    v = jnp.dot(u2d, W, preferred_element_type=jnp.float32)
    v = v / (jnp.sqrt(jnp.sum(v * v)) + 1e-12)
    Wv = jnp.dot(v, W.T, preferred_element_type=jnp.float32)
    u2n = Wv / (jnp.sqrt(jnp.sum(Wv * Wv)) + 1e-12)
    sigma = jnp.sum(u2n * Wv)
    h = jnp.dot(x_ref[...], W / sigma, preferred_element_type=jnp.float32)
    npad = degp_ref.shape[1]
    deg = degp_ref[0] + degp_ref[1] + 1.0
    dinv = 1.0 / jnp.sqrt(deg)
    hs_ref[...] = jnp.pad(h, ((0, npad - h.shape[0]), (0, 0))) * dinv[:, None]
    dinv_ref[...] = dinv


def _mp_body(src2, dst2, hs_hbm, out2, acc_sp, sidx_v, didx_v, rows_v,
             gsem0, gsem1):
    c = lax.axis_index("c")
    s = lax.axis_index("s")
    npad = hs_hbm.shape[0]
    f_out = hs_hbm.shape[1]
    nodes_per_tile = npad // NS
    nds = pl.ds(s * nodes_per_tile, nodes_per_tile)

    @pl.when(c == 0)
    def _():
        pltpu.sync_copy(hs_hbm.at[nds], acc_sp.at[nds])

    @pl.when(c == 1)
    def _():
        def zrow(r, _):
            for j in range(f_out // 16):
                rows_v[0, r, pl.ds(j * 16, 16)] = jnp.zeros((16,), jnp.float32)
            return 0

        lax.fori_loop(0, LANES, zrow, 0)

        def zcp(i, _):
            pltpu.sync_copy(
                rows_v.at[0],
                acc_sp.at[pl.ds(s * nodes_per_tile + i * LANES, LANES)])
            return 0

        lax.fori_loop(0, nodes_per_tile // LANES, zcp, 0)

    plsc.subcore_barrier()

    erows = src2.shape[0]
    rows_per_tile = erows // (NC * NS)
    rb = (c * NS + s) * rows_per_tile
    half = rows_per_tile // 2
    gsems = (gsem0, gsem1)

    def gather_start(i, b):
        pltpu.async_copy(hs_hbm.at[sidx_v.at[i]], rows_v.at[b], gsems[b])

    def gather_wait(i, b):
        pltpu.make_async_copy(
            hs_hbm.at[sidx_v.at[i]], rows_v.at[b], gsems[b]).wait()

    for h in range(2):
        pltpu.sync_copy(src2.at[pl.ds(rb + h * half, half)], sidx_v)
        pltpu.sync_copy(dst2.at[pl.ds(rb + h * half, half)], didx_v)
        gather_start(0, 0)
        gather_start(1, 1)

        def pair(k, _):
            for b in range(2):
                i = 2 * k + b
                gather_wait(i, b)
                pltpu.sync_copy(rows_v.at[b], acc_sp.at[didx_v.at[i]],
                                add=True)

                @pl.when(i + 2 < half)
                def _():
                    gather_start(i + 2, b)

            return 0

        lax.fori_loop(0, half // 2, pair, 0)

    plsc.subcore_barrier()
    pltpu.sync_copy(acc_sp.at[nds], out2.at[c].at[nds])


def _fin_body(acc_ref, dinv_ref, b_ref, out_ref):
    n = out_ref.shape[0]
    dinv = dinv_ref[:n][:, None]
    out_ref[...] = (acc_ref[0, :n] + acc_ref[1, :n]) * dinv + b_ref[...][None, :]


@jax.jit
def kernel(x, edge_index, W, b, u):
    n, f_in = x.shape
    f_out = W.shape[1]
    e = edge_index.shape[1]

    npad = _round_up(n, NS * LANES)
    epad = _round_up(e, NC * NS * CB * LANES)

    src = edge_index[0].astype(jnp.int32)
    dst = edge_index[1].astype(jnp.int32)
    pad_count = epad - e
    pad_idx = n + (jnp.arange(pad_count, dtype=jnp.int32) % (npad - n))
    src2 = jnp.concatenate([src, pad_idx]).reshape(-1, LANES)
    dst2 = jnp.concatenate([dst, pad_idx]).reshape(-1, LANES)

    mesh = plsc.VectorSubcoreMesh(core_axis_name="c", subcore_axis_name="s")

    deg2 = pl.kernel(
        _deg_body,
        out_type=jax.ShapeDtypeStruct((NC, npad), jnp.float32),
        mesh=mesh,
        compiler_params=pltpu.CompilerParams(needs_layout_passes=False),
        scratch_types=[
            pltpu.VMEM_SHARED((NS, npad), jnp.float32),
            pltpu.VMEM((npad,), jnp.float32),
            pltpu.VMEM((epad // LANES // (NC * NS), LANES), jnp.int32),
            pltpu.VMEM((NS, npad // NS), jnp.float32),
            pltpu.VMEM((npad // NS,), jnp.float32),
        ],
    )(dst2)

    hs, dinv = pl.pallas_call(
        _tc_body,
        out_shape=[
            jax.ShapeDtypeStruct((npad, f_out), jnp.float32),
            jax.ShapeDtypeStruct((npad,), jnp.float32),
        ],
    )(x, W, u, deg2)

    half_rows = epad // LANES // (NC * NS) // 2
    acc2 = pl.kernel(
        _mp_body,
        out_type=jax.ShapeDtypeStruct((NC, npad, f_out), jnp.float32),
        mesh=mesh,
        scratch_types=[
            pltpu.VMEM_SHARED((npad, f_out), jnp.float32),
            pltpu.VMEM((half_rows, LANES), jnp.int32),
            pltpu.VMEM((half_rows, LANES), jnp.int32),
            pltpu.VMEM((2, LANES, f_out), jnp.float32),
            pltpu.SemaphoreType.DMA,
            pltpu.SemaphoreType.DMA,
        ],
    )(src2, dst2, hs)

    out = pl.pallas_call(
        _fin_body,
        out_shape=jax.ShapeDtypeStruct((n, f_out), jnp.float32),
    )(acc2, dinv, b)

    return out

# --- scband reference (transcript-rebuilt; emitter-appended) ---
"""Pipeline reference for scband-gcn-6081673691166 (READ-ONLY COPY).

The authoritative reference and input builder live on the scoring server;
editing this copy changes nothing except your own understanding.
"""

import jax, jax.numpy as jnp
import numpy as np

N = 10000
E = 320000
F_IN = 128
F_OUT = 128


def setup_inputs(seed: int = 0) -> dict:
    key = jax.random.key(seed)
    k1, k2, k3, k4 = jax.random.split(key, 4)
    x = jax.random.normal(k1, (N, F_IN), dtype=jnp.float32)
    edge_index = jax.random.randint(k2, (2, E), 0, N, dtype=jnp.int32).astype(jnp.int64)
    # GCNConv learned params (weight [in, out], bias [out])
    W = jax.random.normal(k3, (F_IN, F_OUT), dtype=jnp.float32) * 0.05
    b = jnp.zeros((F_OUT,), dtype=jnp.float32)
    # spectral_norm power-iteration vector u (matches torch spectral_norm buffer)
    u = jax.random.normal(k4, (F_IN,), dtype=jnp.float32)
    u = u / (jnp.linalg.norm(u) + 1e-12)
    return {"x": x, "edge_index": edge_index, "W": W, "b": b, "u": u}


def _spectral_normalize(W, u):
    # one power-iteration step, as torch.nn.utils.spectral_norm (n_power_iterations=1)
    v = jnp.matmul(W.T, u)
    v = v / (jnp.linalg.norm(v) + 1e-12)
    u2 = jnp.matmul(W, v)
    u2 = u2 / (jnp.linalg.norm(u2) + 1e-12)
    u2 = jax.lax.stop_gradient(u2)
    v = jax.lax.stop_gradient(v)
    sigma = jnp.dot(u2, jnp.matmul(W, v))
    return W / sigma


def reference(x, edge_index, W, b, u):
    n = x.shape[0]
    W_sn = _spectral_normalize(W, u)
    # GCNConv: linear transform first
    h = jnp.matmul(x, W_sn)
    src = edge_index[0]
    dst = edge_index[1]
    # add self loops
    loop = jnp.arange(n, dtype=edge_index.dtype)
    src = jnp.concatenate([src, loop])
    dst = jnp.concatenate([dst, loop])
    # symmetric GCN normalization D^{-1/2} (A+I) D^{-1/2}
    ones = jnp.ones(src.shape[0], dtype=h.dtype)
    deg = jax.ops.segment_sum(ones, dst, num_segments=n)
    dinv = jnp.where(deg > 0, 1.0 / jnp.sqrt(deg), 0.0)
    norm = dinv[src] * dinv[dst]
    # message passing: gather from src, scatter-add to dst
    msg = h[src] * norm[:, None]
    out = jax.ops.segment_sum(msg, dst, num_segments=n)
    return out + b

if __name__ == "__main__":
    import jax
    _d = setup_inputs()
    print(jax.jit(kernel)(*tuple(_d.values())))

</pallas_src>

<mosaic_0001>
#map = affine_map<(d0, d1) -> (0, 0)>
module attributes {stable_mosaic.version = 14 : i64} {
  func.func @_deg_body(%arg0: i32, %arg1: i32, %arg2: memref<2560x128xi32, #tpu.memory_space<hbm>>, %arg3: memref<2x10240xf32, #tpu.memory_space<hbm>>, %arg4: memref<16x10240xf32, #tpu.memory_space<vmem_shared>>, %arg5: memref<10240xf32, #tpu.memory_space<vmem>>, %arg6: memref<80x128xi32, #tpu.memory_space<vmem>>, %arg7: memref<16x640xf32, #tpu.memory_space<vmem>>, %arg8: memref<640xf32, #tpu.memory_space<vmem>>) attributes {dimension_semantics = [#tpu.dimension_semantics<core_parallel>, #tpu.dimension_semantics<subcore_parallel>], iteration_bounds = array<i64: 2, 16>, scalar_prefetch = 0 : i64, scratch_operands = 5 : i64, tpu.core_type = #tpu.core_type<sc_vector_subcore>, window_params = [{transform_indices = #map}, {transform_indices = #map}]} {
    %mul3A = arith.constant 16 : i32
    %mul3A_0 = arith.muli %arg0, %mul3A : i32
    %add3A = arith.addi %mul3A_0, %arg1 : i32
    %scan3A = arith.constant 0 : i32
    %scan3A_1 = arith.constant 0 : i32
    %scan3A_2 = arith.constant 640 : i32
    %scan3A_3 = arith.addi %scan3A_1, %scan3A_2 : i32
    %scan3A_4 = arith.constant 1 : i32
    %scan3A_5 = scf.for %scan3A_25 = %scan3A_1 to %scan3A_3 step %scan3A_4 iter_args(%scan3A_26 = %scan3A) -> (i32)  : i32 {
      %broadcast_in_dim3A = arith.constant 0.000000e+00 : f32
      %broadcast_in_dim3A_27 = vector.broadcast %broadcast_in_dim3A : f32 to vector<16xf32>
      %mul3A_28 = arith.constant 16 : i32
      %mul3A_29 = arith.muli %scan3A_25, %mul3A_28 : i32
      %swap3A = arith.index_cast %mul3A_29 : i32 to index
      %swap3A_30 = tpu.vector_load %arg5[%swap3A] {strides = array<i32>} : memref<10240xf32, #tpu.memory_space<vmem>>, vector<16xf32>,
      tpu.vector_store %arg5[%swap3A], %broadcast_in_dim3A_27 {strides = array<i32>} : memref<10240xf32, #tpu.memory_space<vmem>>, vector<16xf32>,
      %scan3A_31 = arith.constant 0 : i32
      scf.yield %scan3A_31 : i32
    }
    %scan3A_6 = arith.constant 640 : i32
    %mul3A_7 = arith.constant 80 : i32
    %mul3A_8 = arith.muli %add3A, %mul3A_7 : i32
    "tpu.region"() ({
      %run_scoped3A = tpu.sem_alloc : memref<!tpu.dma_semaphore, #tpu.memory_space<semaphore_mem>>
      %dma_start3A = arith.constant 0 : i32
      %dma_start3A_25 = tpu.memref_slice %arg2[%mul3A_8, %dma_start3A] : memref<2560x128xi32, #tpu.memory_space<hbm>> -> memref<80x128xi32, #tpu.memory_space<hbm>>
      %dma_start3A_26 = arith.constant 0 : i32
      %dma_start3A_27 = tpu.memref_slice %arg2[%mul3A_8, %dma_start3A_26] : memref<2560x128xi32, #tpu.memory_space<hbm>> -> memref<80x128xi32, #tpu.memory_space<hbm>>
      tpu.enqueue_dma source(%dma_start3A_27 : memref<80x128xi32, #tpu.memory_space<hbm>>) target(%arg6 : memref<80x128xi32, #tpu.memory_space<vmem>>) target_semaphore(%run_scoped3A : memref<!tpu.dma_semaphore, #tpu.memory_space<semaphore_mem>>)
      %dma_wait3A = arith.constant 0 : i32
      %dma_wait3A_28 = tpu.memref_slice %arg2[%mul3A_8, %dma_wait3A] : memref<2560x128xi32, #tpu.memory_space<hbm>> -> memref<80x128xi32, #tpu.memory_space<hbm>>
      %dma_wait3A_29 = arith.constant 0 : i32
      %dma_wait3A_30 = tpu.memref_slice %arg2[%mul3A_8, %dma_wait3A_29] : memref<2560x128xi32, #tpu.memory_space<hbm>> -> memref<80x128xi32, #tpu.memory_space<hbm>>
      tpu.wait_dma2 semaphore(%run_scoped3A : memref<!tpu.dma_semaphore, #tpu.memory_space<semaphore_mem>>) src(%dma_wait3A_30 : memref<80x128xi32, #tpu.memory_space<hbm>>) dst(%arg6 : memref<80x128xi32, #tpu.memory_space<vmem>>)
      tpu.yield
    }) : () -> ()
    %scan3A_9 = arith.constant 0 : i32
    %scan3A_10 = arith.constant 0 : i32
    %scan3A_11 = arith.constant 80 : i32
    %scan3A_12 = arith.addi %scan3A_10, %scan3A_11 : i32
    %scan3A_13 = arith.constant 1 : i32
    %scan3A_14 = scf.for %scan3A_25 = %scan3A_10 to %scan3A_12 step %scan3A_13 iter_args(%scan3A_26 = %scan3A_9) -> (i32)  : i32 {
      %get3A = arith.index_cast %scan3A_25 : i32 to index
      %get3A_27 = arith.constant 0 : index
      %get3A_28 = tpu.vector_load %arg6[%get3A, %get3A_27] {strides = array<i32>} : memref<80x128xi32, #tpu.memory_space<vmem>>, vector<16xi32>,
      %broadcast_in_dim3A = arith.constant true
      %broadcast_in_dim3A_29 = vector.broadcast %broadcast_in_dim3A : i1 to vector<16xi1>
      %unique3A, %unique3A_30 = tpu.scan_count mask(%broadcast_in_dim3A_29 : vector<16xi1>) value(%get3A_28 : vector<16xi32>) : vector<16xi1>, vector<16xi32>
      %convert_element_type3A = arith.sitofp %unique3A_30 : vector<16xi32> to vector<16xf32>
      tpu.vector_store_idx %arg5[%get3A_28], %convert_element_type3A masked %unique3A {add = true} : memref<10240xf32, #tpu.memory_space<vmem>>[vector<16xi32>], vector<16xf32>, vector<16xi1>
      %get3A_31 = arith.index_cast %scan3A_25 : i32 to index
      %get3A_32 = arith.constant 16 : index
      %get3A_33 = tpu.vector_load %arg6[%get3A_31, %get3A_32] {strides = array<i32>} : memref<80x128xi32, #tpu.memory_space<vmem>>, vector<16xi32>,
      %broadcast_in_dim3A_34 = arith.constant true
      %broadcast_in_dim3A_35 = vector.broadcast %broadcast_in_dim3A_34 : i1 to vector<16xi1>
      %unique3A_36, %unique3A_37 = tpu.scan_count mask(%broadcast_in_dim3A_35 : vector<16xi1>) value(%get3A_33 : vector<16xi32>) : vector<16xi1>, vector<16xi32>
      %convert_element_type3A_38 = arith.sitofp %unique3A_37 : vector<16xi32> to vector<16xf32>
      tpu.vector_store_idx %arg5[%get3A_33], %convert_element_type3A_38 masked %unique3A_36 {add = true} : memref<10240xf32, #tpu.memory_space<vmem>>[vector<16xi32>], vector<16xf32>, vector<16xi1>
      %get3A_39 = arith.index_cast %scan3A_25 : i32 to index
      %get3A_40 = arith.constant 32 : index
      %get3A_41 = tpu.vector_load %arg6[%get3A_39, %get3A_40] {strides = array<i32>} : memref<80x128xi32, #tpu.memory_space<vmem>>, vector<16xi32>,
      %broadcast_in_dim3A_42 = arith.constant true
      %broadcast_in_dim3A_43 = vector.broadcast %broadcast_in_dim3A_42 : i1 to vector<16xi1>
      %unique3A_44, %unique3A_45 = tpu.scan_count mask(%broadcast_in_dim3A_43 : vector<16xi1>) value(%get3A_41 : vector<16xi32>) : vector<16xi1>, vector<16xi32>
      %convert_element_type3A_46 = arith.sitofp %unique3A_45 : vector<16xi32> to vector<16xf32>
      tpu.vector_store_idx %arg5[%get3A_41], %convert_element_type3A_46 masked %unique3A_44 {add = true} : memref<10240xf32, #tpu.memory_space<vmem>>[vector<16xi32>], vector<16xf32>, vector<16xi1>
      %get3A_47 = arith.index_cast %scan3A_25 : i32 to index
      %get3A_48 = arith.constant 48 : index
      %get3A_49 = tpu.vector_load %arg6[%get3A_47, %get3A_48] {strides = array<i32>} : memref<80x128xi32, #tpu.memory_space<vmem>>, vector<16xi32>,
      %broadcast_in_dim3A_50 = arith.constant true
      %broadcast_in_dim3A_51 = vector.broadcast %broadcast_in_dim3A_50 : i1 to vector<16xi1>
      %unique3A_52, %unique3A_53 = tpu.scan_count mask(%broadcast_in_dim3A_51 : vector<16xi1>) value(%get3A_49 : vector<16xi32>) : vector<16xi1>, vector<16xi32>
      %convert_element_type3A_54 = arith.sitofp %unique3A_53 : vector<16xi32> to vector<16xf32>
      tpu.vector_store_idx %arg5[%get3A_49], %convert_element_type3A_54 masked %unique3A_52 {add = true} : memref<10240xf32, #tpu.memory_space<vmem>>[vector<16xi32>], vector<16xf32>, vector<16xi1>
      %get3A_55 = arith.index_cast %scan3A_25 : i32 to index
      %get3A_56 = arith.constant 64 : index
      %get3A_57 = tpu.vector_load %arg6[%get3A_55, %get3A_56] {strides = array<i32>} : memref<80x128xi32, #tpu.memory_space<vmem>>, vector<16xi32>,
      %broadcast_in_dim3A_58 = arith.constant true
      %broadcast_in_dim3A_59 = vector.broadcast %broadcast_in_dim3A_58 : i1 to vector<16xi1>
      %unique3A_60, %unique3A_61 = tpu.scan_count mask(%broadcast_in_dim3A_59 : vector<16xi1>) value(%get3A_57 : vector<16xi32>) : vector<16xi1>, vector<16xi32>
      %convert_element_type3A_62 = arith.sitofp %unique3A_61 : vector<16xi32> to vector<16xf32>
      tpu.vector_store_idx %arg5[%get3A_57], %convert_element_type3A_62 masked %unique3A_60 {add = true} : memref<10240xf32, #tpu.memory_space<vmem>>[vector<16xi32>], vector<16xf32>, vector<16xi1>
      %get3A_63 = arith.index_cast %scan3A_25 : i32 to index
      %get3A_64 = arith.constant 80 : index
      %get3A_65 = tpu.vector_load %arg6[%get3A_63, %get3A_64] {strides = array<i32>} : memref<80x128xi32, #tpu.memory_space<vmem>>, vector<16xi32>,
      %broadcast_in_dim3A_66 = arith.constant true
      %broadcast_in_dim3A_67 = vector.broadcast %broadcast_in_dim3A_66 : i1 to vector<16xi1>
      %unique3A_68, %unique3A_69 = tpu.scan_count mask(%broadcast_in_dim3A_67 : vector<16xi1>) value(%get3A_65 : vector<16xi32>) : vector<16xi1>, vector<16xi32>
      %convert_element_type3A_70 = arith.sitofp %unique3A_69 : vector<16xi32> to vector<16xf32>
      tpu.vector_store_idx %arg5[%get3A_65], %convert_element_type3A_70 masked %unique3A_68 {add = true} : memref<10240xf32, #tpu.memory_space<vmem>>[vector<16xi32>], vector<16xf32>, vector<16xi1>
      %get3A_71 = arith.index_cast %scan3A_25 : i32 to index
      %get3A_72 = arith.constant 96 : index
      %get3A_73 = tpu.vector_load %arg6[%get3A_71, %get3A_72] {strides = array<i32>} : memref<80x128xi32, #tpu.memory_space<vmem>>, vector<16xi32>,
      %broadcast_in_dim3A_74 = arith.constant true
      %broadcast_in_dim3A_75 = vector.broadcast %broadcast_in_dim3A_74 : i1 to vector<16xi1>
      %unique3A_76, %unique3A_77 = tpu.scan_count mask(%broadcast_in_dim3A_75 : vector<16xi1>) value(%get3A_73 : vector<16xi32>) : vector<16xi1>, vector<16xi32>
      %convert_element_type3A_78 = arith.sitofp %unique3A_77 : vector<16xi32> to vector<16xf32>
      tpu.vector_store_idx %arg5[%get3A_73], %convert_element_type3A_78 masked %unique3A_76 {add = true} : memref<10240xf32, #tpu.memory_space<vmem>>[vector<16xi32>], vector<16xf32>, vector<16xi1>
      %get3A_79 = arith.index_cast %scan3A_25 : i32 to index
      %get3A_80 = arith.constant 112 : index
      %get3A_81 = tpu.vector_load %arg6[%get3A_79, %get3A_80] {strides = array<i32>} : memref<80x128xi32, #tpu.memory_space<vmem>>, vector<16xi32>,
      %broadcast_in_dim3A_82 = arith.constant true
      %broadcast_in_dim3A_83 = vector.broadcast %broadcast_in_dim3A_82 : i1 to vector<16xi1>
      %unique3A_84, %unique3A_85 = tpu.scan_count mask(%broadcast_in_dim3A_83 : vector<16xi1>) value(%get3A_81 : vector<16xi32>) : vector<16xi1>, vector<16xi32>
      %convert_element_type3A_86 = arith.sitofp %unique3A_85 : vector<16xi32> to vector<16xf32>
      tpu.vector_store_idx %arg5[%get3A_81], %convert_element_type3A_86 masked %unique3A_84 {add = true} : memref<10240xf32, #tpu.memory_space<vmem>>[vector<16xi32>], vector<16xf32>, vector<16xi1>
      %scan3A_87 = arith.constant 0 : i32
      scf.yield %scan3A_87 : i32
    }
    %scan3A_15 = arith.constant 80 : i32
    "tpu.region"() ({
      %run_scoped3A = tpu.sem_alloc : memref<!tpu.dma_semaphore, #tpu.memory_space<semaphore_mem>>
      %dma_start3A = arith.constant 0 : i32
      %dma_start3A_25 = tpu.memref_slice %arg4[%arg1, %dma_start3A] : memref<16x10240xf32, #tpu.memory_space<vmem_shared>> -> memref<1x10240xf32, #tpu.memory_space<vmem_shared>>
      %dma_start3A_26 = tpu.memref_squeeze %dma_start3A_25 : memref<1x10240xf32, #tpu.memory_space<vmem_shared>> -> memref<10240xf32, #tpu.memory_space<vmem_shared>>
      %dma_start3A_27 = arith.constant 0 : i32
      %dma_start3A_28 = tpu.memref_slice %arg4[%arg1, %dma_start3A_27] : memref<16x10240xf32, #tpu.memory_space<vmem_shared>> -> memref<1x10240xf32, #tpu.memory_space<vmem_shared>>
      %dma_start3A_29 = tpu.memref_squeeze %dma_start3A_28 : memref<1x10240xf32, #tpu.memory_space<vmem_shared>> -> memref<10240xf32, #tpu.memory_space<vmem_shared>>
      tpu.enqueue_dma source(%arg5 : memref<10240xf32, #tpu.memory_space<vmem>>) target(%dma_start3A_29 : memref<10240xf32, #tpu.memory_space<vmem_shared>>) target_semaphore(%run_scoped3A : memref<!tpu.dma_semaphore, #tpu.memory_space<semaphore_mem>>)
      %dma_wait3A = arith.constant 0 : i32
      %dma_wait3A_30 = tpu.memref_slice %arg4[%arg1, %dma_wait3A] : memref<16x10240xf32, #tpu.memory_space<vmem_shared>> -> memref<1x10240xf32, #tpu.memory_space<vmem_shared>>
      %dma_wait3A_31 = tpu.memref_squeeze %dma_wait3A_30 : memref<1x10240xf32, #tpu.memory_space<vmem_shared>> -> memref<10240xf32, #tpu.memory_space<vmem_shared>>
      %dma_wait3A_32 = arith.constant 0 : i32
      %dma_wait3A_33 = tpu.memref_slice %arg4[%arg1, %dma_wait3A_32] : memref<16x10240xf32, #tpu.memory_space<vmem_shared>> -> memref<1x10240xf32, #tpu.memory_space<vmem_shared>>
      %dma_wait3A_34 = tpu.memref_squeeze %dma_wait3A_33 : memref<1x10240xf32, #tpu.memory_space<vmem_shared>> -> memref<10240xf32, #tpu.memory_space<vmem_shared>>
      tpu.wait_dma2 semaphore(%run_scoped3A : memref<!tpu.dma_semaphore, #tpu.memory_space<semaphore_mem>>) src(%arg5 : memref<10240xf32, #tpu.memory_space<vmem>>) dst(%dma_wait3A_34 : memref<10240xf32, #tpu.memory_space<vmem_shared>>)
      tpu.yield
    }) : () -> ()
    %barrier3A = arith.constant 0 : index
    tpu.barrier barrier_id(%barrier3A)
    %mul3A_16 = arith.constant 640 : i32
    %mul3A_17 = arith.muli %arg1, %mul3A_16 : i32
    "tpu.region"() ({
      %run_scoped3A = tpu.sem_alloc : memref<!tpu.dma_semaphore, #tpu.memory_space<semaphore_mem>>
      %dma_start3A = arith.constant 0 : i32
      %dma_start3A_25 = tpu.memref_slice %arg4[%dma_start3A, %mul3A_17] : memref<16x10240xf32, #tpu.memory_space<vmem_shared>> -> memref<16x640xf32, #tpu.memory_space<vmem_shared>>
      %dma_start3A_26 = arith.constant 0 : i32
      %dma_start3A_27 = tpu.memref_slice %arg4[%dma_start3A_26, %mul3A_17] : memref<16x10240xf32, #tpu.memory_space<vmem_shared>> -> memref<16x640xf32, #tpu.memory_space<vmem_shared>>
      tpu.enqueue_dma source(%dma_start3A_27 : memref<16x640xf32, #tpu.memory_space<vmem_shared>>) target(%arg7 : memref<16x640xf32, #tpu.memory_space<vmem>>) target_semaphore(%run_scoped3A : memref<!tpu.dma_semaphore, #tpu.memory_space<semaphore_mem>>)
      %dma_wait3A = arith.constant 0 : i32
      %dma_wait3A_28 = tpu.memref_slice %arg4[%dma_wait3A, %mul3A_17] : memref<16x10240xf32, #tpu.memory_space<vmem_shared>> -> memref<16x640xf32, #tpu.memory_space<vmem_shared>>
      %dma_wait3A_29 = arith.constant 0 : i32
      %dma_wait3A_30 = tpu.memref_slice %arg4[%dma_wait3A_29, %mul3A_17] : memref<16x10240xf32, #tpu.memory_space<vmem_shared>> -> memref<16x640xf32, #tpu.memory_space<vmem_shared>>
      tpu.wait_dma2 semaphore(%run_scoped3A : memref<!tpu.dma_semaphore, #tpu.memory_space<semaphore_mem>>) src(%dma_wait3A_30 : memref<16x640xf32, #tpu.memory_space<vmem_shared>>) dst(%arg7 : memref<16x640xf32, #tpu.memory_space<vmem>>)
      tpu.yield
    }) : () -> ()
    %scan3A_18 = arith.constant 0 : i32
    %scan3A_19 = arith.constant 0 : i32
    %scan3A_20 = arith.constant 40 : i32
    %scan3A_21 = arith.addi %scan3A_19, %scan3A_20 : i32
    %scan3A_22 = arith.constant 1 : i32
    %scan3A_23 = scf.for %scan3A_25 = %scan3A_19 to %scan3A_21 step %scan3A_22 iter_args(%scan3A_26 = %scan3A_18) -> (i32)  : i32 {
      %broadcast_in_dim3A = arith.constant 0.000000e+00 : f32
      %broadcast_in_dim3A_27 = vector.broadcast %broadcast_in_dim3A : f32 to vector<16xf32>
      %mul3A_28 = arith.constant 16 : i32
      %mul3A_29 = arith.muli %scan3A_25, %mul3A_28 : i32
      %get3A = arith.constant 0 : i32
      %get3A_30 = arith.index_cast %get3A : i32 to index
      %get3A_31 = arith.index_cast %mul3A_29 : i32 to index
      %get3A_32 = tpu.vector_load %arg7[%get3A_30, %get3A_31] {strides = array<i32>} : memref<16x640xf32, #tpu.memory_space<vmem>>, vector<16xf32>,
      %add3A_33 = arith.addf %broadcast_in_dim3A_27, %get3A_32 : vector<16xf32>
      %mul3A_34 = arith.constant 16 : i32
      %mul3A_35 = arith.muli %scan3A_25, %mul3A_34 : i32
      %get3A_36 = arith.constant 1 : i32
      %get3A_37 = arith.index_cast %get3A_36 : i32 to index
      %get3A_38 = arith.index_cast %mul3A_35 : i32 to index
      %get3A_39 = tpu.vector_load %arg7[%get3A_37, %get3A_38] {strides = array<i32>} : memref<16x640xf32, #tpu.memory_space<vmem>>, vector<16xf32>,
      %add3A_40 = arith.addf %add3A_33, %get3A_39 : vector<16xf32>
      %mul3A_41 = arith.constant 16 : i32
      %mul3A_42 = arith.muli %scan3A_25, %mul3A_41 : i32
      %get3A_43 = arith.constant 2 : i32
      %get3A_44 = arith.index_cast %get3A_43 : i32 to index
      %get3A_45 = arith.index_cast %mul3A_42 : i32 to index
      %get3A_46 = tpu.vector_load %arg7[%get3A_44, %get3A_45] {strides = array<i32>} : memref<16x640xf32, #tpu.memory_space<vmem>>, vector<16xf32>,
      %add3A_47 = arith.addf %add3A_40, %get3A_46 : vector<16xf32>
      %mul3A_48 = arith.constant 16 : i32
      %mul3A_49 = arith.muli %scan3A_25, %mul3A_48 : i32
      %get3A_50 = arith.constant 3 : i32
      %get3A_51 = arith.index_cast %get3A_50 : i32 to index
      %get3A_52 = arith.index_cast %mul3A_49 : i32 to index
      %get3A_53 = tpu.vector_load %arg7[%get3A_51, %get3A_52] {strides = array<i32>} : memref<16x640xf32, #tpu.memory_space<vmem>>, vector<16xf32>,
      %add3A_54 = arith.addf %add3A_47, %get3A_53 : vector<16xf32>
      %mul3A_55 = arith.constant 16 : i32
      %mul3A_56 = arith.muli %scan3A_25, %mul3A_55 : i32
      %get3A_57 = arith.constant 4 : i32
      %get3A_58 = arith.index_cast %get3A_57 : i32 to index
      %get3A_59 = arith.index_cast %mul3A_56 : i32 to index
      %get3A_60 = tpu.vector_load %arg7[%get3A_58, %get3A_59] {strides = array<i32>} : memref<16x640xf32, #tpu.memory_space<vmem>>, vector<16xf32>,
      %add3A_61 = arith.addf %add3A_54, %get3A_60 : vector<16xf32>
      %mul3A_62 = arith.constant 16 : i32
      %mul3A_63 = arith.muli %scan3A_25, %mul3A_62 : i32
      %get3A_64 = arith.constant 5 : i32
      %get3A_65 = arith.index_cast %get3A_64 : i32 to index
      %get3A_66 = arith.index_cast %mul3A_63 : i32 to index
      %get3A_67 = tpu.vector_load %arg7[%get3A_65, %get3A_66] {strides = array<i32>} : memref<16x640xf32, #tpu.memory_space<vmem>>, vector<16xf32>,
      %add3A_68 = arith.addf %add3A_61, %get3A_67 : vector<16xf32>
      %mul3A_69 = arith.constant 16 : i32
      %mul3A_70 = arith.muli %scan3A_25, %mul3A_69 : i32
      %get3A_71 = arith.constant 6 : i32
      %get3A_72 = arith.index_cast %get3A_71 : i32 to index
      %get3A_73 = arith.index_cast %mul3A_70 : i32 to index
      %get3A_74 = tpu.vector_load %arg7[%get3A_72, %get3A_73] {strides = array<i32>} : memref<16x640xf32, #tpu.memory_space<vmem>>, vector<16xf32>,
      %add3A_75 = arith.addf %add3A_68, %get3A_74 : vector<16xf32>
      %mul3A_76 = arith.constant 16 : i32
      %mul3A_77 = arith.muli %scan3A_25, %mul3A_76 : i32
      %get3A_78 = arith.constant 7 : i32
      %get3A_79 = arith.index_cast %get3A_78 : i32 to index
      %get3A_80 = arith.index_cast %mul3A_77 : i32 to index
      %get3A_81 = tpu.vector_load %arg7[%get3A_79, %get3A_80] {strides = array<i32>} : memref<16x640xf32, #tpu.memory_space<vmem>>, vector<16xf32>,
      %add3A_82 = arith.addf %add3A_75, %get3A_81 : vector<16xf32>
      %mul3A_83 = arith.constant 16 : i32
      %mul3A_84 = arith.muli %scan3A_25, %mul3A_83 : i32
      %get3A_85 = arith.constant 8 : i32
      %get3A_86 = arith.index_cast %get3A_85 : i32 to index
      %get3A_87 = arith.index_cast %mul3A_84 : i32 to index
      %get3A_88 = tpu.vector_load %arg7[%get3A_86, %get3A_87] {strides = array<i32>} : memref<16x640xf32, #tpu.memory_space<vmem>>, vector<16xf32>,
      %add3A_89 = arith.addf %add3A_82, %get3A_88 : vector<16xf32>
      %mul3A_90 = arith.constant 16 : i32
      %mul3A_91 = arith.muli %scan3A_25, %mul3A_90 : i32
      %get3A_92 = arith.constant 9 : i32
      %get3A_93 = arith.index_cast %get3A_92 : i32 to index
      %get3A_94 = arith.index_cast %mul3A_91 : i32 to index
      %get3A_95 = tpu.vector_load %arg7[%get3A_93, %get3A_94] {strides = array<i32>} : memref<16x640xf32, #tpu.memory_space<vmem>>, vector<16xf32>,
      %add3A_96 = arith.addf %add3A_89, %get3A_95 : vector<16xf32>
      %mul3A_97 = arith.constant 16 : i32
      %mul3A_98 = arith.muli %scan3A_25, %mul3A_97 : i32
      %get3A_99 = arith.constant 10 : i32
      %get3A_100 = arith.index_cast %get3A_99 : i32 to index
      %get3A_101 = arith.index_cast %mul3A_98 : i32 to index
      %get3A_102 = tpu.vector_load %arg7[%get3A_100, %get3A_101] {strides = array<i32>} : memref<16x640xf32, #tpu.memory_space<vmem>>, vector<16xf32>,
      %add3A_103 = arith.addf %add3A_96, %get3A_102 : vector<16xf32>
      %mul3A_104 = arith.constant 16 : i32
      %mul3A_105 = arith.muli %scan3A_25, %mul3A_104 : i32
      %get3A_106 = arith.constant 11 : i32
      %get3A_107 = arith.index_cast %get3A_106 : i32 to index
      %get3A_108 = arith.index_cast %mul3A_105 : i32 to index
      %get3A_109 = tpu.vector_load %arg7[%get3A_107, %get3A_108] {strides = array<i32>} : memref<16x640xf32, #tpu.memory_space<vmem>>, vector<16xf32>,
      %add3A_110 = arith.addf %add3A_103, %get3A_109 : vector<16xf32>
      %mul3A_111 = arith.constant 16 : i32
      %mul3A_112 = arith.muli %scan3A_25, %mul3A_111 : i32
      %get3A_113 = arith.constant 12 : i32
      %get3A_114 = arith.index_cast %get3A_113 : i32 to index
      %get3A_115 = arith.index_cast %mul3A_112 : i32 to index
      %get3A_116 = tpu.vector_load %arg7[%get3A_114, %get3A_115] {strides = array<i32>} : memref<16x640xf32, #tpu.memory_space<vmem>>, vector<16xf32>,
      %add3A_117 = arith.addf %add3A_110, %get3A_116 : vector<16xf32>
      %mul3A_118 = arith.constant 16 : i32
      %mul3A_119 = arith.muli %scan3A_25, %mul3A_118 : i32
      %get3A_120 = arith.constant 13 : i32
      %get3A_121 = arith.index_cast %get3A_120 : i32 to index
      %get3A_122 = arith.index_cast %mul3A_119 : i32 to index
      %get3A_123 = tpu.vector_load %arg7[%get3A_121, %get3A_122] {strides = array<i32>} : memref<16x640xf32, #tpu.memory_space<vmem>>, vector<16xf32>,
      %add3A_124 = arith.addf %add3A_117, %get3A_123 : vector<16xf32>
      %mul3A_125 = arith.constant 16 : i32
      %mul3A_126 = arith.muli %scan3A_25, %mul3A_125 : i32
      %get3A_127 = arith.constant 14 : i32
      %get3A_128 = arith.index_cast %get3A_127 : i32 to index
      %get3A_129 = arith.index_cast %mul3A_126 : i32 to index
      %get3A_130 = tpu.vector_load %arg7[%get3A_128, %get3A_129] {strides = array<i32>} : memref<16x640xf32, #tpu.memory_space<vmem>>, vector<16xf32>,
      %add3A_131 = arith.addf %add3A_124, %get3A_130 : vector<16xf32>
      %mul3A_132 = arith.constant 16 : i32
      %mul3A_133 = arith.muli %scan3A_25, %mul3A_132 : i32
      %get3A_134 = arith.constant 15 : i32
      %get3A_135 = arith.index_cast %get3A_134 : i32 to index
      %get3A_136 = arith.index_cast %mul3A_133 : i32 to index
      %get3A_137 = tpu.vector_load %arg7[%get3A_135, %get3A_136] {strides = array<i32>} : memref<16x640xf32, #tpu.memory_space<vmem>>, vector<16xf32>,
      %add3A_138 = arith.addf %add3A_131, %get3A_137 : vector<16xf32>
      %mul3A_139 = arith.constant 16 : i32
      %mul3A_140 = arith.muli %scan3A_25, %mul3A_139 : i32
      %swap3A = arith.index_cast %mul3A_140 : i32 to index
      %swap3A_141 = tpu.vector_load %arg8[%swap3A] {strides = array<i32>} : memref<640xf32, #tpu.memory_space<vmem>>, vector<16xf32>,
      tpu.vector_store %arg8[%swap3A], %add3A_138 {strides = array<i32>} : memref<640xf32, #tpu.memory_space<vmem>>, vector<16xf32>,
      %scan3A_142 = arith.constant 0 : i32
      scf.yield %scan3A_142 : i32
    }
    %scan3A_24 = arith.constant 40 : i32
    "tpu.region"() ({
      %run_scoped3A = tpu.sem_alloc : memref<!tpu.dma_semaphore, #tpu.memory_space<semaphore_mem>>
      %dma_start3A = arith.constant 0 : i32
      %dma_start3A_25 = tpu.memref_slice %arg3[%arg0, %dma_start3A] : memref<2x10240xf32, #tpu.memory_space<hbm>> -> memref<1x10240xf32, #tpu.memory_space<hbm>>
      %dma_start3A_26 = tpu.memref_squeeze %dma_start3A_25 : memref<1x10240xf32, #tpu.memory_space<hbm>> -> memref<10240xf32, #tpu.memory_space<hbm>>
      %dma_start3A_27 = tpu.memref_slice %dma_start3A_26[%mul3A_17] : memref<10240xf32, #tpu.memory_space<hbm>> -> memref<640xf32, #tpu.memory_space<hbm>>
      %dma_start3A_28 = arith.constant 0 : i32
      %dma_start3A_29 = tpu.memref_slice %arg3[%arg0, %dma_start3A_28] : memref<2x10240xf32, #tpu.memory_space<hbm>> -> memref<1x10240xf32, #tpu.memory_space<hbm>>
      %dma_start3A_30 = tpu.memref_squeeze %dma_start3A_29 : memref<1x10240xf32, #tpu.memory_space<hbm>> -> memref<10240xf32, #tpu.memory_space<hbm>>
      %dma_start3A_31 = tpu.memref_slice %dma_start3A_30[%mul3A_17] : memref<10240xf32, #tpu.memory_space<hbm>> -> memref<640xf32, #tpu.memory_space<hbm>>
      tpu.enqueue_dma source(%arg8 : memref<640xf32, #tpu.memory_space<vmem>>) target(%dma_start3A_31 : memref<640xf32, #tpu.memory_space<hbm>>) target_semaphore(%run_scoped3A : memref<!tpu.dma_semaphore, #tpu.memory_space<semaphore_mem>>)
      %dma_wait3A = arith.constant 0 : i32
      %dma_wait3A_32 = tpu.memref_slice %arg3[%arg0, %dma_wait3A] : memref<2x10240xf32, #tpu.memory_space<hbm>> -> memref<1x10240xf32, #tpu.memory_space<hbm>>
      %dma_wait3A_33 = tpu.memref_squeeze %dma_wait3A_32 : memref<1x10240xf32, #tpu.memory_space<hbm>> -> memref<10240xf32, #tpu.memory_space<hbm>>
      %dma_wait3A_34 = tpu.memref_slice %dma_wait3A_33[%mul3A_17] : memref<10240xf32, #tpu.memory_space<hbm>> -> memref<640xf32, #tpu.memory_space<hbm>>
      %dma_wait3A_35 = arith.constant 0 : i32
      %dma_wait3A_36 = tpu.memref_slice %arg3[%arg0, %dma_wait3A_35] : memref<2x10240xf32, #tpu.memory_space<hbm>> -> memref<1x10240xf32, #tpu.memory_space<hbm>>
      %dma_wait3A_37 = tpu.memref_squeeze %dma_wait3A_36 : memref<1x10240xf32, #tpu.memory_space<hbm>> -> memref<10240xf32, #tpu.memory_space<hbm>>
      %dma_wait3A_38 = tpu.memref_slice %dma_wait3A_37[%mul3A_17] : memref<10240xf32, #tpu.memory_space<hbm>> -> memref<640xf32, #tpu.memory_space<hbm>>
      tpu.wait_dma2 semaphore(%run_scoped3A : memref<!tpu.dma_semaphore, #tpu.memory_space<semaphore_mem>>) src(%arg8 : memref<640xf32, #tpu.memory_space<vmem>>) dst(%dma_wait3A_38 : memref<640xf32, #tpu.memory_space<hbm>>)
      tpu.yield
    }) : () -> ()
    return
  }
}

#map = affine_map<(d0, d1) -> (0, 0)>
#map1 = affine_map<(d0, d1) -> (0, 0, 0)>
module attributes {stable_mosaic.version = 14 : i64} {
  func.func @_mp_body(%arg0: i32, %arg1: i32, %arg2: memref<2560x128xi32, #tpu.memory_space<hbm>>, %arg3: memref<2560x128xi32, #tpu.memory_space<hbm>>, %arg4: memref<10240x128xf32, #tpu.memory_space<hbm>>, %arg5: memref<2x10240x128xf32, #tpu.memory_space<hbm>>, %arg6: memref<10240x128xf32, #tpu.memory_space<vmem_shared>>, %arg7: memref<40x128xi32, #tpu.memory_space<vmem>>, %arg8: memref<40x128xi32, #tpu.memory_space<vmem>>, %arg9: memref<2x128x128xf32, #tpu.memory_space<vmem>>, %arg10: memref<!tpu.dma_semaphore, #tpu.memory_space<semaphore_mem>>, %arg11: memref<!tpu.dma_semaphore, #tpu.memory_space<semaphore_mem>>) attributes {dimension_semantics = [#tpu.dimension_semantics<core_parallel>, #tpu.dimension_semantics<subcore_parallel>], iteration_bounds = array<i64: 2, 16>, scalar_prefetch = 0 : i64, scratch_operands = 6 : i64, tpu.core_type = #tpu.core_type<sc_vector_subcore>, window_params = [{transform_indices = #map}, {transform_indices = #map}, {transform_indices = #map}, {transform_indices = #map1}]} {
    %mul3A = arith.constant 640 : i32
    %mul3A_0 = arith.muli %arg1, %mul3A : i32
    %eq3A = arith.constant 0 : i32
    %eq3A_1 = arith.cmpi eq, %arg0, %eq3A : i32
    %convert_element_type3A = arith.extui %eq3A_1 : i1 to i32
    %cond3A = arith.constant 0 : i32
    %cond3A_2 = arith.cmpi ne, %convert_element_type3A, %cond3A : i32
    scf.if %cond3A_2 {
      "tpu.region"() ({
        %run_scoped3A = tpu.sem_alloc : memref<!tpu.dma_semaphore, #tpu.memory_space<semaphore_mem>>
        %dma_start3A_81 = arith.constant 0 : i32
        %dma_start3A_82 = tpu.memref_slice %arg6[%mul3A_0, %dma_start3A_81] : memref<10240x128xf32, #tpu.memory_space<vmem_shared>> -> memref<640x128xf32, #tpu.memory_space<vmem_shared>>
        %dma_start3A_83 = arith.constant 0 : i32
        %dma_start3A_84 = tpu.memref_slice %arg4[%mul3A_0, %dma_start3A_83] : memref<10240x128xf32, #tpu.memory_space<hbm>> -> memref<640x128xf32, #tpu.memory_space<hbm>>
        tpu.enqueue_dma source(%dma_start3A_84 : memref<640x128xf32, #tpu.memory_space<hbm>>) target(%dma_start3A_82 : memref<640x128xf32, #tpu.memory_space<vmem_shared>>) target_semaphore(%run_scoped3A : memref<!tpu.dma_semaphore, #tpu.memory_space<semaphore_mem>>)
        %dma_wait3A = arith.constant 0 : i32
        %dma_wait3A_85 = tpu.memref_slice %arg6[%mul3A_0, %dma_wait3A] : memref<10240x128xf32, #tpu.memory_space<vmem_shared>> -> memref<640x128xf32, #tpu.memory_space<vmem_shared>>
        %dma_wait3A_86 = arith.constant 0 : i32
        %dma_wait3A_87 = tpu.memref_slice %arg4[%mul3A_0, %dma_wait3A_86] : memref<10240x128xf32, #tpu.memory_space<hbm>> -> memref<640x128xf32, #tpu.memory_space<hbm>>
        tpu.wait_dma2 semaphore(%run_scoped3A : memref<!tpu.dma_semaphore, #tpu.memory_space<semaphore_mem>>) src(%dma_wait3A_87 : memref<640x128xf32, #tpu.memory_space<hbm>>) dst(%dma_wait3A_85 : memref<640x128xf32, #tpu.memory_space<vmem_shared>>)
        tpu.yield
      }) : () -> ()
    } else {
    }
    %eq3A_3 = arith.constant 1 : i32
    %eq3A_4 = arith.cmpi eq, %arg0, %eq3A_3 : i32
    %convert_element_type3A_5 = arith.extui %eq3A_4 : i1 to i32
    %cond3A_6 = arith.constant 0 : i32
    %cond3A_7 = arith.cmpi ne, %convert_element_type3A_5, %cond3A_6 : i32
    scf.if %cond3A_7 {
      %scan3A_81 = arith.constant 0 : i32
      %scan3A_82 = arith.constant 0 : i32
      %scan3A_83 = arith.constant 128 : i32
      %scan3A_84 = arith.addi %scan3A_82, %scan3A_83 : i32
      %scan3A_85 = arith.constant 1 : i32
      %scan3A_86 = scf.for %scan3A_95 = %scan3A_82 to %scan3A_84 step %scan3A_85 iter_args(%scan3A_96 = %scan3A_81) -> (i32)  : i32 {
        %broadcast_in_dim3A = arith.constant 0.000000e+00 : f32
        %broadcast_in_dim3A_97 = vector.broadcast %broadcast_in_dim3A : f32 to vector<16xf32>
        %swap3A = arith.constant 0 : i32
        %swap3A_98 = arith.index_cast %swap3A : i32 to index
        %swap3A_99 = arith.index_cast %scan3A_95 : i32 to index
        %swap3A_100 = arith.constant 0 : index
        %swap3A_101 = tpu.vector_load %arg9[%swap3A_98, %swap3A_99, %swap3A_100] {strides = array<i32>} : memref<2x128x128xf32, #tpu.memory_space<vmem>>, vector<1x1x16xf32>,
        %swap3A_102 = vector.shape_cast %swap3A_101 : vector<1x1x16xf32> to vector<16xf32>
        %swap3A_103 = vector.shape_cast %broadcast_in_dim3A_97 : vector<16xf32> to vector<1x1x16xf32>
        tpu.vector_store %arg9[%swap3A_98, %swap3A_99, %swap3A_100], %swap3A_103 {strides = array<i32>} : memref<2x128x128xf32, #tpu.memory_space<vmem>>, vector<1x1x16xf32>,
        %broadcast_in_dim3A_104 = arith.constant 0.000000e+00 : f32
        %broadcast_in_dim3A_105 = vector.broadcast %broadcast_in_dim3A_104 : f32 to vector<16xf32>
        %swap3A_106 = arith.constant 0 : i32
        %swap3A_107 = arith.index_cast %swap3A_106 : i32 to index
        %swap3A_108 = arith.index_cast %scan3A_95 : i32 to index
        %swap3A_109 = arith.constant 16 : index
        %swap3A_110 = tpu.vector_load %arg9[%swap3A_107, %swap3A_108, %swap3A_109] {strides = array<i32>} : memref<2x128x128xf32, #tpu.memory_space<vmem>>, vector<1x1x16xf32>,
        %swap3A_111 = vector.shape_cast %swap3A_110 : vector<1x1x16xf32> to vector<16xf32>
        %swap3A_112 = vector.shape_cast %broadcast_in_dim3A_105 : vector<16xf32> to vector<1x1x16xf32>
        tpu.vector_store %arg9[%swap3A_107, %swap3A_108, %swap3A_109], %swap3A_112 {strides = array<i32>} : memref<2x128x128xf32, #tpu.memory_space<vmem>>, vector<1x1x16xf32>,
        %broadcast_in_dim3A_113 = arith.constant 0.000000e+00 : f32
        %broadcast_in_dim3A_114 = vector.broadcast %broadcast_in_dim3A_113 : f32 to vector<16xf32>
        %swap3A_115 = arith.constant 0 : i32
        %swap3A_116 = arith.index_cast %swap3A_115 : i32 to index
        %swap3A_117 = arith.index_cast %scan3A_95 : i32 to index
        %swap3A_118 = arith.constant 32 : index
        %swap3A_119 = tpu.vector_load %arg9[%swap3A_116, %swap3A_117, %swap3A_118] {strides = array<i32>} : memref<2x128x128xf32, #tpu.memory_space<vmem>>, vector<1x1x16xf32>,
        %swap3A_120 = vector.shape_cast %swap3A_119 : vector<1x1x16xf32> to vector<16xf32>
        %swap3A_121 = vector.shape_cast %broadcast_in_dim3A_114 : vector<16xf32> to vector<1x1x16xf32>
        tpu.vector_store %arg9[%swap3A_116, %swap3A_117, %swap3A_118], %swap3A_121 {strides = array<i32>} : memref<2x128x128xf32, #tpu.memory_space<vmem>>, vector<1x1x16xf32>,
        %broadcast_in_dim3A_122 = arith.constant 0.000000e+00 : f32
        %broadcast_in_dim3A_123 = vector.broadcast %broadcast_in_dim3A_122 : f32 to vector<16xf32>
        %swap3A_124 = arith.constant 0 : i32
        %swap3A_125 = arith.index_cast %swap3A_124 : i32 to index
        %swap3A_126 = arith.index_cast %scan3A_95 : i32 to index
        %swap3A_127 = arith.constant 48 : index
        %swap3A_128 = tpu.vector_load %arg9[%swap3A_125, %swap3A_126, %swap3A_127] {strides = array<i32>} : memref<2x128x128xf32, #tpu.memory_space<vmem>>, vector<1x1x16xf32>,
        %swap3A_129 = vector.shape_cast %swap3A_128 : vector<1x1x16xf32> to vector<16xf32>
        %swap3A_130 = vector.shape_cast %broadcast_in_dim3A_123 : vector<16xf32> to vector<1x1x16xf32>
        tpu.vector_store %arg9[%swap3A_125, %swap3A_126, %swap3A_127], %swap3A_130 {strides = array<i32>} : memref<2x128x128xf32, #tpu.memory_space<vmem>>, vector<1x1x16xf32>,
        %broadcast_in_dim3A_131 = arith.constant 0.000000e+00 : f32
        %broadcast_in_dim3A_132 = vector.broadcast %broadcast_in_dim3A_131 : f32 to vector<16xf32>
        %swap3A_133 = arith.constant 0 : i32
        %swap3A_134 = arith.index_cast %swap3A_133 : i32 to index
        %swap3A_135 = arith.index_cast %scan3A_95 : i32 to index
        %swap3A_136 = arith.constant 64 : index
        %swap3A_137 = tpu.vector_load %arg9[%swap3A_134, %swap3A_135, %swap3A_136] {strides = array<i32>} : memref<2x128x128xf32, #tpu.memory_space<vmem>>, vector<1x1x16xf32>,
        %swap3A_138 = vector.shape_cast %swap3A_137 : vector<1x1x16xf32> to vector<16xf32>
        %swap3A_139 = vector.shape_cast %broadcast_in_dim3A_132 : vector<16xf32> to vector<1x1x16xf32>
        tpu.vector_store %arg9[%swap3A_134, %swap3A_135, %swap3A_136], %swap3A_139 {strides = array<i32>} : memref<2x128x128xf32, #tpu.memory_space<vmem>>, vector<1x1x16xf32>,
        %broadcast_in_dim3A_140 = arith.constant 0.000000e+00 : f32
        %broadcast_in_dim3A_141 = vector.broadcast %broadcast_in_dim3A_140 : f32 to vector<16xf32>
        %swap3A_142 = arith.constant 0 : i32
        %swap3A_143 = arith.index_cast %swap3A_142 : i32 to index
        %swap3A_144 = arith.index_cast %scan3A_95 : i32 to index
        %swap3A_145 = arith.constant 80 : index
        %swap3A_146 = tpu.vector_load %arg9[%swap3A_143, %swap3A_144, %swap3A_145] {strides = array<i32>} : memref<2x128x128xf32, #tpu.memory_space<vmem>>, vector<1x1x16xf32>,
        %swap3A_147 = vector.shape_cast %swap3A_146 : vector<1x1x16xf32> to vector<16xf32>
        %swap3A_148 = vector.shape_cast %broadcast_in_dim3A_141 : vector<16xf32> to vector<1x1x16xf32>
        tpu.vector_store %arg9[%swap3A_143, %swap3A_144, %swap3A_145], %swap3A_148 {strides = array<i32>} : memref<2x128x128xf32, #tpu.memory_space<vmem>>, vector<1x1x16xf32>,
        %broadcast_in_dim3A_149 = arith.constant 0.000000e+00 : f32
        %broadcast_in_dim3A_150 = vector.broadcast %broadcast_in_dim3A_149 : f32 to vector<16xf32>
        %swap3A_151 = arith.constant 0 : i32
        %swap3A_152 = arith.index_cast %swap3A_151 : i32 to index
        %swap3A_153 = arith.index_cast %scan3A_95 : i32 to index
        %swap3A_154 = arith.constant 96 : index
        %swap3A_155 = tpu.vector_load %arg9[%swap3A_152, %swap3A_153, %swap3A_154] {strides = array<i32>} : memref<2x128x128xf32, #tpu.memory_space<vmem>>, vector<1x1x16xf32>,
        %swap3A_156 = vector.shape_cast %swap3A_155 : vector<1x1x16xf32> to vector<16xf32>
        %swap3A_157 = vector.shape_cast %broadcast_in_dim3A_150 : vector<16xf32> to vector<1x1x16xf32>
        tpu.vector_store %arg9[%swap3A_152, %swap3A_153, %swap3A_154], %swap3A_157 {strides = array<i32>} : memref<2x128x128xf32, #tpu.memory_space<vmem>>, vector<1x1x16xf32>,
        %broadcast_in_dim3A_158 = arith.constant 0.000000e+00 : f32
        %broadcast_in_dim3A_159 = vector.broadcast %broadcast_in_dim3A_158 : f32 to vector<16xf32>
        %swap3A_160 = arith.constant 0 : i32
        %swap3A_161 = arith.index_cast %swap3A_160 : i32 to index
        %swap3A_162 = arith.index_cast %scan3A_95 : i32 to index
        %swap3A_163 = arith.constant 112 : index
        %swap3A_164 = tpu.vector_load %arg9[%swap3A_161, %swap3A_162, %swap3A_163] {strides = array<i32>} : memref<2x128x128xf32, #tpu.memory_space<vmem>>, vector<1x1x16xf32>,
        %swap3A_165 = vector.shape_cast %swap3A_164 : vector<1x1x16xf32> to vector<16xf32>
        %swap3A_166 = vector.shape_cast %broadcast_in_dim3A_159 : vector<16xf32> to vector<1x1x16xf32>
        tpu.vector_store %arg9[%swap3A_161, %swap3A_162, %swap3A_163], %swap3A_166 {strides = array<i32>} : memref<2x128x128xf32, #tpu.memory_space<vmem>>, vector<1x1x16xf32>,
        %scan3A_167 = arith.constant 0 : i32
        scf.yield %scan3A_167 : i32
      }
      %scan3A_87 = arith.constant 128 : i32
      %scan3A_88 = arith.constant 0 : i32
      %scan3A_89 = arith.constant 0 : i32
      %scan3A_90 = arith.constant 5 : i32
      %scan3A_91 = arith.addi %scan3A_89, %scan3A_90 : i32
      %scan3A_92 = arith.constant 1 : i32
      %scan3A_93 = scf.for %scan3A_95 = %scan3A_89 to %scan3A_91 step %scan3A_92 iter_args(%scan3A_96 = %scan3A_88) -> (i32)  : i32 {
        %mul3A_97 = arith.constant 640 : i32
        %mul3A_98 = arith.muli %arg1, %mul3A_97 : i32
        %mul3A_99 = arith.constant 128 : i32
        %mul3A_100 = arith.muli %scan3A_95, %mul3A_99 : i32
        %add3A_101 = arith.addi %mul3A_98, %mul3A_100 : i32
        %run_scoped3A = arith.constant 0 : i32
        "tpu.region"() ({
          %run_scoped3A_103 = tpu.sem_alloc : memref<!tpu.dma_semaphore, #tpu.memory_space<semaphore_mem>>
          %dma_start3A_104 = arith.constant 0 : i32
          %dma_start3A_105 = arith.constant 0 : i32
          %dma_start3A_106 = tpu.memref_slice %arg9[%run_scoped3A, %dma_start3A_104, %dma_start3A_105] : memref<2x128x128xf32, #tpu.memory_space<vmem>> -> memref<1x128x128xf32, #tpu.memory_space<vmem>>
          %dma_start3A_107 = tpu.memref_squeeze %dma_start3A_106 : memref<1x128x128xf32, #tpu.memory_space<vmem>> -> memref<128x128xf32, #tpu.memory_space<vmem>>
          %dma_start3A_108 = arith.constant 0 : i32
          %dma_start3A_109 = tpu.memref_slice %arg6[%add3A_101, %dma_start3A_108] : memref<10240x128xf32, #tpu.memory_space<vmem_shared>> -> memref<128x128xf32, #tpu.memory_space<vmem_shared>>
          %dma_start3A_110 = arith.constant 0 : i32
          %dma_start3A_111 = tpu.memref_slice %arg6[%add3A_101, %dma_start3A_110] : memref<10240x128xf32, #tpu.memory_space<vmem_shared>> -> memref<128x128xf32, #tpu.memory_space<vmem_shared>>
          %dma_start3A_112 = arith.constant 0 : i32
          %dma_start3A_113 = arith.constant 0 : i32
          %dma_start3A_114 = tpu.memref_slice %arg9[%run_scoped3A, %dma_start3A_112, %dma_start3A_113] : memref<2x128x128xf32, #tpu.memory_space<vmem>> -> memref<1x128x128xf32, #tpu.memory_space<vmem>>
          %dma_start3A_115 = tpu.memref_squeeze %dma_start3A_114 : memref<1x128x128xf32, #tpu.memory_space<vmem>> -> memref<128x128xf32, #tpu.memory_space<vmem>>
          tpu.enqueue_dma source(%dma_start3A_115 : memref<128x128xf32, #tpu.memory_space<vmem>>) target(%dma_start3A_111 : memref<128x128xf32, #tpu.memory_space<vmem_shared>>) target_semaphore(%run_scoped3A_103 : memref<!tpu.dma_semaphore, #tpu.memory_space<semaphore_mem>>)
          %dma_wait3A = arith.constant 0 : i32
          %dma_wait3A_116 = arith.constant 0 : i32
          %dma_wait3A_117 = tpu.memref_slice %arg9[%run_scoped3A, %dma_wait3A, %dma_wait3A_116] : memref<2x128x128xf32, #tpu.memory_space<vmem>> -> memref<1x128x128xf32, #tpu.memory_space<vmem>>
          %dma_wait3A_118 = tpu.memref_squeeze %dma_wait3A_117 : memref<1x128x128xf32, #tpu.memory_space<vmem>> -> memref<128x128xf32, #tpu.memory_space<vmem>>
          %dma_wait3A_119 = arith.constant 0 : i32
          %dma_wait3A_120 = tpu.memref_slice %arg6[%add3A_101, %dma_wait3A_119] : memref<10240x128xf32, #tpu.memory_space<vmem_shared>> -> memref<128x128xf32, #tpu.memory_space<vmem_shared>>
          %dma_wait3A_121 = arith.constant 0 : i32
          %dma_wait3A_122 = tpu.memref_slice %arg6[%add3A_101, %dma_wait3A_121] : memref<10240x128xf32, #tpu.memory_space<vmem_shared>> -> memref<128x128xf32, #tpu.memory_space<vmem_shared>>
          %dma_wait3A_123 = arith.constant 0 : i32
          %dma_wait3A_124 = arith.constant 0 : i32
          %dma_wait3A_125 = tpu.memref_slice %arg9[%run_scoped3A, %dma_wait3A_123, %dma_wait3A_124] : memref<2x128x128xf32, #tpu.memory_space<vmem>> -> memref<1x128x128xf32, #tpu.memory_space<vmem>>
          %dma_wait3A_126 = tpu.memref_squeeze %dma_wait3A_125 : memref<1x128x128xf32, #tpu.memory_space<vmem>> -> memref<128x128xf32, #tpu.memory_space<vmem>>
          tpu.wait_dma2 semaphore(%run_scoped3A_103 : memref<!tpu.dma_semaphore, #tpu.memory_space<semaphore_mem>>) src(%dma_wait3A_126 : memref<128x128xf32, #tpu.memory_space<vmem>>) dst(%dma_wait3A_122 : memref<128x128xf32, #tpu.memory_space<vmem_shared>>)
          tpu.yield
        }) : () -> ()
        %scan3A_102 = arith.constant 0 : i32
        scf.yield %scan3A_102 : i32
      }
      %scan3A_94 = arith.constant 5 : i32
    } else {
    }
    %barrier3A = arith.constant 0 : index
    tpu.barrier barrier_id(%barrier3A)
    %mul3A_8 = arith.constant 16 : i32
    %mul3A_9 = arith.muli %arg0, %mul3A_8 : i32
    %add3A = arith.addi %mul3A_9, %arg1 : i32
    %mul3A_10 = arith.constant 80 : i32
    %mul3A_11 = arith.muli %add3A, %mul3A_10 : i32
    %add3A_12 = arith.constant 0 : i32
    %add3A_13 = arith.addi %mul3A_11, %add3A_12 : i32
    "tpu.region"() ({
      %run_scoped3A = tpu.sem_alloc : memref<!tpu.dma_semaphore, #tpu.memory_space<semaphore_mem>>
      %dma_start3A_81 = arith.constant 0 : i32
      %dma_start3A_82 = tpu.memref_slice %arg2[%add3A_13, %dma_start3A_81] : memref<2560x128xi32, #tpu.memory_space<hbm>> -> memref<40x128xi32, #tpu.memory_space<hbm>>
      %dma_start3A_83 = arith.constant 0 : i32
      %dma_start3A_84 = tpu.memref_slice %arg2[%add3A_13, %dma_start3A_83] : memref<2560x128xi32, #tpu.memory_space<hbm>> -> memref<40x128xi32, #tpu.memory_space<hbm>>
      tpu.enqueue_dma source(%dma_start3A_84 : memref<40x128xi32, #tpu.memory_space<hbm>>) target(%arg7 : memref<40x128xi32, #tpu.memory_space<vmem>>) target_semaphore(%run_scoped3A : memref<!tpu.dma_semaphore, #tpu.memory_space<semaphore_mem>>)
      %dma_wait3A = arith.constant 0 : i32
      %dma_wait3A_85 = tpu.memref_slice %arg2[%add3A_13, %dma_wait3A] : memref<2560x128xi32, #tpu.memory_space<hbm>> -> memref<40x128xi32, #tpu.memory_space<hbm>>
      %dma_wait3A_86 = arith.constant 0 : i32
      %dma_wait3A_87 = tpu.memref_slice %arg2[%add3A_13, %dma_wait3A_86] : memref<2560x128xi32, #tpu.memory_space<hbm>> -> memref<40x128xi32, #tpu.memory_space<hbm>>
      tpu.wait_dma2 semaphore(%run_scoped3A : memref<!tpu.dma_semaphore, #tpu.memory_space<semaphore_mem>>) src(%dma_wait3A_87 : memref<40x128xi32, #tpu.memory_space<hbm>>) dst(%arg7 : memref<40x128xi32, #tpu.memory_space<vmem>>)
      tpu.yield
    }) : () -> ()
    %add3A_14 = arith.constant 0 : i32
    %add3A_15 = arith.addi %mul3A_11, %add3A_14 : i32
    "tpu.region"() ({
      %run_scoped3A = tpu.sem_alloc : memref<!tpu.dma_semaphore, #tpu.memory_space<semaphore_mem>>
      %dma_start3A_81 = arith.constant 0 : i32
      %dma_start3A_82 = tpu.memref_slice %arg3[%add3A_15, %dma_start3A_81] : memref<2560x128xi32, #tpu.memory_space<hbm>> -> memref<40x128xi32, #tpu.memory_space<hbm>>
      %dma_start3A_83 = arith.constant 0 : i32
      %dma_start3A_84 = tpu.memref_slice %arg3[%add3A_15, %dma_start3A_83] : memref<2560x128xi32, #tpu.memory_space<hbm>> -> memref<40x128xi32, #tpu.memory_space<hbm>>
      tpu.enqueue_dma source(%dma_start3A_84 : memref<40x128xi32, #tpu.memory_space<hbm>>) target(%arg8 : memref<40x128xi32, #tpu.memory_space<vmem>>) target_semaphore(%run_scoped3A : memref<!tpu.dma_semaphore, #tpu.memory_space<semaphore_mem>>)
      %dma_wait3A = arith.constant 0 : i32
      %dma_wait3A_85 = tpu.memref_slice %arg3[%add3A_15, %dma_wait3A] : memref<2560x128xi32, #tpu.memory_space<hbm>> -> memref<40x128xi32, #tpu.memory_space<hbm>>
      %dma_wait3A_86 = arith.constant 0 : i32
      %dma_wait3A_87 = tpu.memref_slice %arg3[%add3A_15, %dma_wait3A_86] : memref<2560x128xi32, #tpu.memory_space<hbm>> -> memref<40x128xi32, #tpu.memory_space<hbm>>
      tpu.wait_dma2 semaphore(%run_scoped3A : memref<!tpu.dma_semaphore, #tpu.memory_space<semaphore_mem>>) src(%dma_wait3A_87 : memref<40x128xi32, #tpu.memory_space<hbm>>) dst(%arg8 : memref<40x128xi32, #tpu.memory_space<vmem>>)
      tpu.yield
    }) : () -> ()
    %dma_start3A = arith.constant 0 : i32
    %dma_start3A_16 = arith.constant 0 : i32
    %dma_start3A_17 = arith.constant 0 : i32
    %dma_start3A_18 = arith.constant 0 : i32
    %dma_start3A_19 = tpu.memref_slice %arg9[%dma_start3A_16, %dma_start3A_17, %dma_start3A_18] : memref<2x128x128xf32, #tpu.memory_space<vmem>> -> memref<1x128x128xf32, #tpu.memory_space<vmem>>
    %dma_start3A_20 = tpu.memref_squeeze %dma_start3A_19 : memref<1x128x128xf32, #tpu.memory_space<vmem>> -> memref<128x128xf32, #tpu.memory_space<vmem>>
    %dma_start3A_21 = arith.constant 0 : i32
    %dma_start3A_22 = tpu.memref_slice %arg7[%dma_start3A, %dma_start3A_21] : memref<40x128xi32, #tpu.memory_space<vmem>> -> memref<1x128xi32, #tpu.memory_space<vmem>>
    %dma_start3A_23 = tpu.memref_squeeze %dma_start3A_22 : memref<1x128xi32, #tpu.memory_space<vmem>> -> memref<128xi32, #tpu.memory_space<vmem>>
    %dma_start3A_24 = arith.constant 0 : i32
    %dma_start3A_25 = arith.constant 0 : i32
    %dma_start3A_26 = tpu.memref_slice %arg4[%dma_start3A_24, %dma_start3A_25] : memref<10240x128xf32, #tpu.memory_space<hbm>> -> memref<10240x128xf32, #tpu.memory_space<hbm>>
    tpu.enqueue_indirect_dma source(%dma_start3A_26 : memref<10240x128xf32, #tpu.memory_space<hbm>>) target(%dma_start3A_20 : memref<128x128xf32, #tpu.memory_space<vmem>>) offsets(%dma_start3A_23 : memref<128xi32, #tpu.memory_space<vmem>>) semaphore(%arg10 : memref<!tpu.dma_semaphore, #tpu.memory_space<semaphore_mem>>)
    %dma_start3A_27 = arith.constant 1 : i32
    %dma_start3A_28 = arith.constant 1 : i32
    %dma_start3A_29 = arith.constant 0 : i32
    %dma_start3A_30 = arith.constant 0 : i32
    %dma_start3A_31 = tpu.memref_slice %arg9[%dma_start3A_28, %dma_start3A_29, %dma_start3A_30] : memref<2x128x128xf32, #tpu.memory_space<vmem>> -> memref<1x128x128xf32, #tpu.memory_space<vmem>>
    %dma_start3A_32 = tpu.memref_squeeze %dma_start3A_31 : memref<1x128x128xf32, #tpu.memory_space<vmem>> -> memref<128x128xf32, #tpu.memory_space<vmem>>
    %dma_start3A_33 = arith.constant 0 : i32
    %dma_start3A_34 = tpu.memref_slice %arg7[%dma_start3A_27, %dma_start3A_33] : memref<40x128xi32, #tpu.memory_space<vmem>> -> memref<1x128xi32, #tpu.memory_space<vmem>>
    %dma_start3A_35 = tpu.memref_squeeze %dma_start3A_34 : memref<1x128xi32, #tpu.memory_space<vmem>> -> memref<128xi32, #tpu.memory_space<vmem>>
    %dma_start3A_36 = arith.constant 0 : i32
    %dma_start3A_37 = arith.constant 0 : i32
    %dma_start3A_38 = tpu.memref_slice %arg4[%dma_start3A_36, %dma_start3A_37] : memref<10240x128xf32, #tpu.memory_space<hbm>> -> memref<10240x128xf32, #tpu.memory_space<hbm>>
    tpu.enqueue_indirect_dma source(%dma_start3A_38 : memref<10240x128xf32, #tpu.memory_space<hbm>>) target(%dma_start3A_32 : memref<128x128xf32, #tpu.memory_space<vmem>>) offsets(%dma_start3A_35 : memref<128xi32, #tpu.memory_space<vmem>>) semaphore(%arg11 : memref<!tpu.dma_semaphore, #tpu.memory_space<semaphore_mem>>)
    %scan3A = arith.constant 0 : i32
    %scan3A_39 = arith.constant 0 : i32
    %scan3A_40 = arith.constant 20 : i32
    %scan3A_41 = arith.addi %scan3A_39, %scan3A_40 : i32
    %scan3A_42 = arith.constant 1 : i32
    %scan3A_43 = scf.for %scan3A_81 = %scan3A_39 to %scan3A_41 step %scan3A_42 iter_args(%scan3A_82 = %scan3A) -> (i32)  : i32 {
      %mul3A_83 = arith.constant 2 : i32
      %mul3A_84 = arith.muli %mul3A_83, %scan3A_81 : i32
      %add3A_85 = arith.constant 0 : i32
      %add3A_86 = arith.addi %mul3A_84, %add3A_85 : i32
      %dma_wait3A = arith.constant 0 : i32
      %dma_wait3A_87 = arith.constant 0 : i32
      %dma_wait3A_88 = arith.constant 0 : i32
      %dma_wait3A_89 = tpu.memref_slice %arg9[%dma_wait3A, %dma_wait3A_87, %dma_wait3A_88] : memref<2x128x128xf32, #tpu.memory_space<vmem>> -> memref<1x128x128xf32, #tpu.memory_space<vmem>>
      %dma_wait3A_90 = tpu.memref_squeeze %dma_wait3A_89 : memref<1x128x128xf32, #tpu.memory_space<vmem>> -> memref<128x128xf32, #tpu.memory_space<vmem>>
      %dma_wait3A_91 = arith.constant 0 : i32
      %dma_wait3A_92 = tpu.memref_slice %arg7[%add3A_86, %dma_wait3A_91] : memref<40x128xi32, #tpu.memory_space<vmem>> -> memref<1x128xi32, #tpu.memory_space<vmem>>
      %dma_wait3A_93 = tpu.memref_squeeze %dma_wait3A_92 : memref<1x128xi32, #tpu.memory_space<vmem>> -> memref<128xi32, #tpu.memory_space<vmem>>
      %dma_wait3A_94 = arith.constant 0 : i32
      %dma_wait3A_95 = arith.constant 0 : i32
      %dma_wait3A_96 = tpu.memref_slice %arg4[%dma_wait3A_94, %dma_wait3A_95] : memref<10240x128xf32, #tpu.memory_space<hbm>> -> memref<10240x128xf32, #tpu.memory_space<hbm>>
      tpu.wait_indirect_dma semaphore(%arg10 : memref<!tpu.dma_semaphore, #tpu.memory_space<semaphore_mem>>) src(%dma_wait3A_96 : memref<10240x128xf32, #tpu.memory_space<hbm>>) dst(%dma_wait3A_90 : memref<128x128xf32, #tpu.memory_space<vmem>>)
      %run_scoped3A = arith.constant 0 : i32
      "tpu.region"() ({
        %run_scoped3A_127 = tpu.sem_alloc : memref<!tpu.dma_semaphore, #tpu.memory_space<semaphore_mem>>
        %dma_start3A_128 = arith.constant 0 : i32
        %dma_start3A_129 = arith.constant 0 : i32
        %dma_start3A_130 = tpu.memref_slice %arg9[%run_scoped3A, %dma_start3A_128, %dma_start3A_129] : memref<2x128x128xf32, #tpu.memory_space<vmem>> -> memref<1x128x128xf32, #tpu.memory_space<vmem>>
        %dma_start3A_131 = tpu.memref_squeeze %dma_start3A_130 : memref<1x128x128xf32, #tpu.memory_space<vmem>> -> memref<128x128xf32, #tpu.memory_space<vmem>>
        %dma_start3A_132 = arith.constant 0 : i32
        %dma_start3A_133 = tpu.memref_slice %arg8[%add3A_86, %dma_start3A_132] : memref<40x128xi32, #tpu.memory_space<vmem>> -> memref<1x128xi32, #tpu.memory_space<vmem>>
        %dma_start3A_134 = tpu.memref_squeeze %dma_start3A_133 : memref<1x128xi32, #tpu.memory_space<vmem>> -> memref<128xi32, #tpu.memory_space<vmem>>
        %dma_start3A_135 = arith.constant 0 : i32
        %dma_start3A_136 = arith.constant 0 : i32
        %dma_start3A_137 = tpu.memref_slice %arg6[%dma_start3A_135, %dma_start3A_136] : memref<10240x128xf32, #tpu.memory_space<vmem_shared>> -> memref<10240x128xf32, #tpu.memory_space<vmem_shared>>
        tpu.enqueue_indirect_dma source(%dma_start3A_131 : memref<128x128xf32, #tpu.memory_space<vmem>>) target(%dma_start3A_137 : memref<10240x128xf32, #tpu.memory_space<vmem_shared>>) offsets(%dma_start3A_134 : memref<128xi32, #tpu.memory_space<vmem>>) semaphore(%run_scoped3A_127 : memref<!tpu.dma_semaphore, #tpu.memory_space<semaphore_mem>>) {add = true}
        %dma_wait3A_138 = arith.constant 0 : i32
        %dma_wait3A_139 = arith.constant 0 : i32
        %dma_wait3A_140 = tpu.memref_slice %arg9[%run_scoped3A, %dma_wait3A_138, %dma_wait3A_139] : memref<2x128x128xf32, #tpu.memory_space<vmem>> -> memref<1x128x128xf32, #tpu.memory_space<vmem>>
        %dma_wait3A_141 = tpu.memref_squeeze %dma_wait3A_140 : memref<1x128x128xf32, #tpu.memory_space<vmem>> -> memref<128x128xf32, #tpu.memory_space<vmem>>
        %dma_wait3A_142 = arith.constant 0 : i32
        %dma_wait3A_143 = tpu.memref_slice %arg8[%add3A_86, %dma_wait3A_142] : memref<40x128xi32, #tpu.memory_space<vmem>> -> memref<1x128xi32, #tpu.memory_space<vmem>>
        %dma_wait3A_144 = tpu.memref_squeeze %dma_wait3A_143 : memref<1x128xi32, #tpu.memory_space<vmem>> -> memref<128xi32, #tpu.memory_space<vmem>>
        %dma_wait3A_145 = arith.constant 0 : i32
        %dma_wait3A_146 = arith.constant 0 : i32
        %dma_wait3A_147 = tpu.memref_slice %arg6[%dma_wait3A_145, %dma_wait3A_146] : memref<10240x128xf32, #tpu.memory_space<vmem_shared>> -> memref<10240x128xf32, #tpu.memory_space<vmem_shared>>
        tpu.wait_indirect_dma semaphore(%run_scoped3A_127 : memref<!tpu.dma_semaphore, #tpu.memory_space<semaphore_mem>>) src(%dma_wait3A_141 : memref<128x128xf32, #tpu.memory_space<vmem>>) dst(%dma_wait3A_147 : memref<10240x128xf32, #tpu.memory_space<vmem_shared>>)
        tpu.yield
      }) : () -> ()
      %add3A_97 = arith.constant 2 : i32
      %add3A_98 = arith.addi %add3A_86, %add3A_97 : i32
      %lt3A = arith.constant 40 : i32
      %lt3A_99 = arith.cmpi slt, %add3A_98, %lt3A : i32
      %convert_element_type3A_100 = arith.extui %lt3A_99 : i1 to i32
      %cond3A_101 = arith.constant 0 : i32
      %cond3A_102 = arith.cmpi ne, %convert_element_type3A_100, %cond3A_101 : i32
      scf.if %cond3A_102 {
        %add3A_127 = arith.constant 2 : i32
        %add3A_128 = arith.addi %add3A_86, %add3A_127 : i32
        %dma_start3A_129 = arith.constant 0 : i32
        %dma_start3A_130 = arith.constant 0 : i32
        %dma_start3A_131 = arith.constant 0 : i32
        %dma_start3A_132 = tpu.memref_slice %arg9[%dma_start3A_129, %dma_start3A_130, %dma_start3A_131] : memref<2x128x128xf32, #tpu.memory_space<vmem>> -> memref<1x128x128xf32, #tpu.memory_space<vmem>>
        %dma_start3A_133 = tpu.memref_squeeze %dma_start3A_132 : memref<1x128x128xf32, #tpu.memory_space<vmem>> -> memref<128x128xf32, #tpu.memory_space<vmem>>
        %dma_start3A_134 = arith.constant 0 : i32
        %dma_start3A_135 = tpu.memref_slice %arg7[%add3A_128, %dma_start3A_134] : memref<40x128xi32, #tpu.memory_space<vmem>> -> memref<1x128xi32, #tpu.memory_space<vmem>>
        %dma_start3A_136 = tpu.memref_squeeze %dma_start3A_135 : memref<1x128xi32, #tpu.memory_space<vmem>> -> memref<128xi32, #tpu.memory_space<vmem>>
        %dma_start3A_137 = arith.constant 0 : i32
        %dma_start3A_138 = arith.constant 0 : i32
        %dma_start3A_139 = tpu.memref_slice %arg4[%dma_start3A_137, %dma_start3A_138] : memref<10240x128xf32, #tpu.memory_space<hbm>> -> memref<10240x128xf32, #tpu.memory_space<hbm>>
        tpu.enqueue_indirect_dma source(%dma_start3A_139 : memref<10240x128xf32, #tpu.memory_space<hbm>>) target(%dma_start3A_133 : memref<128x128xf32, #tpu.memory_space<vmem>>) offsets(%dma_start3A_136 : memref<128xi32, #tpu.memory_space<vmem>>) semaphore(%arg10 : memref<!tpu.dma_semaphore, #tpu.memory_space<semaphore_mem>>)
      } else {
      }
      %mul3A_103 = arith.constant 2 : i32
      %mul3A_104 = arith.muli %mul3A_103, %scan3A_81 : i32
      %add3A_105 = arith.constant 1 : i32
      %add3A_106 = arith.addi %mul3A_104, %add3A_105 : i32
      %dma_wait3A_107 = arith.constant 1 : i32
      %dma_wait3A_108 = arith.constant 0 : i32
      %dma_wait3A_109 = arith.constant 0 : i32
      %dma_wait3A_110 = tpu.memref_slice %arg9[%dma_wait3A_107, %dma_wait3A_108, %dma_wait3A_109] : memref<2x128x128xf32, #tpu.memory_space<vmem>> -> memref<1x128x128xf32, #tpu.memory_space<vmem>>
      %dma_wait3A_111 = tpu.memref_squeeze %dma_wait3A_110 : memref<1x128x128xf32, #tpu.memory_space<vmem>> -> memref<128x128xf32, #tpu.memory_space<vmem>>
      %dma_wait3A_112 = arith.constant 0 : i32
      %dma_wait3A_113 = tpu.memref_slice %arg7[%add3A_106, %dma_wait3A_112] : memref<40x128xi32, #tpu.memory_space<vmem>> -> memref<1x128xi32, #tpu.memory_space<vmem>>
      %dma_wait3A_114 = tpu.memref_squeeze %dma_wait3A_113 : memref<1x128xi32, #tpu.memory_space<vmem>> -> memref<128xi32, #tpu.memory_space<vmem>>
      %dma_wait3A_115 = arith.constant 0 : i32
      %dma_wait3A_116 = arith.constant 0 : i32
      %dma_wait3A_117 = tpu.memref_slice %arg4[%dma_wait3A_115, %dma_wait3A_116] : memref<10240x128xf32, #tpu.memory_space<hbm>> -> memref<10240x128xf32, #tpu.memory_space<hbm>>
      tpu.wait_indirect_dma semaphore(%arg11 : memref<!tpu.dma_semaphore, #tpu.memory_space<semaphore_mem>>) src(%dma_wait3A_117 : memref<10240x128xf32, #tpu.memory_space<hbm>>) dst(%dma_wait3A_111 : memref<128x128xf32, #tpu.memory_space<vmem>>)
      %run_scoped3A_118 = arith.constant 1 : i32
      "tpu.region"() ({
        %run_scoped3A_127 = tpu.sem_alloc : memref<!tpu.dma_semaphore, #tpu.memory_space<semaphore_mem>>
        %dma_start3A_128 = arith.constant 0 : i32
        %dma_start3A_129 = arith.constant 0 : i32
        %dma_start3A_130 = tpu.memref_slice %arg9[%run_scoped3A_118, %dma_start3A_128, %dma_start3A_129] : memref<2x128x128xf32, #tpu.memory_space<vmem>> -> memref<1x128x128xf32, #tpu.memory_space<vmem>>
        %dma_start3A_131 = tpu.memref_squeeze %dma_start3A_130 : memref<1x128x128xf32, #tpu.memory_space<vmem>> -> memref<128x128xf32, #tpu.memory_space<vmem>>
        %dma_start3A_132 = arith.constant 0 : i32
        %dma_start3A_133 = tpu.memref_slice %arg8[%add3A_106, %dma_start3A_132] : memref<40x128xi32, #tpu.memory_space<vmem>> -> memref<1x128xi32, #tpu.memory_space<vmem>>
        %dma_start3A_134 = tpu.memref_squeeze %dma_start3A_133 : memref<1x128xi32, #tpu.memory_space<vmem>> -> memref<128xi32, #tpu.memory_space<vmem>>
        %dma_start3A_135 = arith.constant 0 : i32
        %dma_start3A_136 = arith.constant 0 : i32
        %dma_start3A_137 = tpu.memref_slice %arg6[%dma_start3A_135, %dma_start3A_136] : memref<10240x128xf32, #tpu.memory_space<vmem_shared>> -> memref<10240x128xf32, #tpu.memory_space<vmem_shared>>
        tpu.enqueue_indirect_dma source(%dma_start3A_131 : memref<128x128xf32, #tpu.memory_space<vmem>>) target(%dma_start3A_137 : memref<10240x128xf32, #tpu.memory_space<vmem_shared>>) offsets(%dma_start3A_134 : memref<128xi32, #tpu.memory_space<vmem>>) semaphore(%run_scoped3A_127 : memref<!tpu.dma_semaphore, #tpu.memory_space<semaphore_mem>>) {add = true}
        %dma_wait3A_138 = arith.constant 0 : i32
        %dma_wait3A_139 = arith.constant 0 : i32
        %dma_wait3A_140 = tpu.memref_slice %arg9[%run_scoped3A_118, %dma_wait3A_138, %dma_wait3A_139] : memref<2x128x128xf32, #tpu.memory_space<vmem>> -> memref<1x128x128xf32, #tpu.memory_space<vmem>>
        %dma_wait3A_141 = tpu.memref_squeeze %dma_wait3A_140 : memref<1x128x128xf32, #tpu.memory_space<vmem>> -> memref<128x128xf32, #tpu.memory_space<vmem>>
        %dma_wait3A_142 = arith.constant 0 : i32
        %dma_wait3A_143 = tpu.memref_slice %arg8[%add3A_106, %dma_wait3A_142] : memref<40x128xi32, #tpu.memory_space<vmem>> -> memref<1x128xi32, #tpu.memory_space<vmem>>
        %dma_wait3A_144 = tpu.memref_squeeze %dma_wait3A_143 : memref<1x128xi32, #tpu.memory_space<vmem>> -> memref<128xi32, #tpu.memory_space<vmem>>
        %dma_wait3A_145 = arith.constant 0 : i32
        %dma_wait3A_146 = arith.constant 0 : i32
        %dma_wait3A_147 = tpu.memref_slice %arg6[%dma_wait3A_145, %dma_wait3A_146] : memref<10240x128xf32, #tpu.memory_space<vmem_shared>> -> memref<10240x128xf32, #tpu.memory_space<vmem_shared>>
        tpu.wait_indirect_dma semaphore(%run_scoped3A_127 : memref<!tpu.dma_semaphore, #tpu.memory_space<semaphore_mem>>) src(%dma_wait3A_141 : memref<128x128xf32, #tpu.memory_space<vmem>>) dst(%dma_wait3A_147 : memref<10240x128xf32, #tpu.memory_space<vmem_shared>>)
        tpu.yield
      }) : () -> ()
      %add3A_119 = arith.constant 2 : i32
      %add3A_120 = arith.addi %add3A_106, %add3A_119 : i32
      %lt3A_121 = arith.constant 40 : i32
      %lt3A_122 = arith.cmpi slt, %add3A_120, %lt3A_121 : i32
      %convert_element_type3A_123 = arith.extui %lt3A_122 : i1 to i32
      %cond3A_124 = arith.constant 0 : i32
      %cond3A_125 = arith.cmpi ne, %convert_element_type3A_123, %cond3A_124 : i32
      scf.if %cond3A_125 {
        %add3A_127 = arith.constant 2 : i32
        %add3A_128 = arith.addi %add3A_106, %add3A_127 : i32
        %dma_start3A_129 = arith.constant 1 : i32
        %dma_start3A_130 = arith.constant 0 : i32
        %dma_start3A_131 = arith.constant 0 : i32
        %dma_start3A_132 = tpu.memref_slice %arg9[%dma_start3A_129, %dma_start3A_130, %dma_start3A_131] : memref<2x128x128xf32, #tpu.memory_space<vmem>> -> memref<1x128x128xf32, #tpu.memory_space<vmem>>
        %dma_start3A_133 = tpu.memref_squeeze %dma_start3A_132 : memref<1x128x128xf32, #tpu.memory_space<vmem>> -> memref<128x128xf32, #tpu.memory_space<vmem>>
        %dma_start3A_134 = arith.constant 0 : i32
        %dma_start3A_135 = tpu.memref_slice %arg7[%add3A_128, %dma_start3A_134] : memref<40x128xi32, #tpu.memory_space<vmem>> -> memref<1x128xi32, #tpu.memory_space<vmem>>
        %dma_start3A_136 = tpu.memref_squeeze %dma_start3A_135 : memref<1x128xi32, #tpu.memory_space<vmem>> -> memref<128xi32, #tpu.memory_space<vmem>>
        %dma_start3A_137 = arith.constant 0 : i32
        %dma_start3A_138 = arith.constant 0 : i32
        %dma_start3A_139 = tpu.memref_slice %arg4[%dma_start3A_137, %dma_start3A_138] : memref<10240x128xf32, #tpu.memory_space<hbm>> -> memref<10240x128xf32, #tpu.memory_space<hbm>>
        tpu.enqueue_indirect_dma source(%dma_start3A_139 : memref<10240x128xf32, #tpu.memory_space<hbm>>) target(%dma_start3A_133 : memref<128x128xf32, #tpu.memory_space<vmem>>) offsets(%dma_start3A_136 : memref<128xi32, #tpu.memory_space<vmem>>) semaphore(%arg11 : memref<!tpu.dma_semaphore, #tpu.memory_space<semaphore_mem>>)
      } else {
      }
      %scan3A_126 = arith.constant 0 : i32
      scf.yield %scan3A_126 : i32
    }
    %scan3A_44 = arith.constant 20 : i32
    %add3A_45 = arith.constant 40 : i32
    %add3A_46 = arith.addi %mul3A_11, %add3A_45 : i32
    "tpu.region"() ({
      %run_scoped3A = tpu.sem_alloc : memref<!tpu.dma_semaphore, #tpu.memory_space<semaphore_mem>>
      %dma_start3A_81 = arith.constant 0 : i32
      %dma_start3A_82 = tpu.memref_slice %arg2[%add3A_46, %dma_start3A_81] : memref<2560x128xi32, #tpu.memory_space<hbm>> -> memref<40x128xi32, #tpu.memory_space<hbm>>
      %dma_start3A_83 = arith.constant 0 : i32
      %dma_start3A_84 = tpu.memref_slice %arg2[%add3A_46, %dma_start3A_83] : memref<2560x128xi32, #tpu.memory_space<hbm>> -> memref<40x128xi32, #tpu.memory_space<hbm>>
      tpu.enqueue_dma source(%dma_start3A_84 : memref<40x128xi32, #tpu.memory_space<hbm>>) target(%arg7 : memref<40x128xi32, #tpu.memory_space<vmem>>) target_semaphore(%run_scoped3A : memref<!tpu.dma_semaphore, #tpu.memory_space<semaphore_mem>>)
      %dma_wait3A = arith.constant 0 : i32
      %dma_wait3A_85 = tpu.memref_slice %arg2[%add3A_46, %dma_wait3A] : memref<2560x128xi32, #tpu.memory_space<hbm>> -> memref<40x128xi32, #tpu.memory_space<hbm>>
      %dma_wait3A_86 = arith.constant 0 : i32
      %dma_wait3A_87 = tpu.memref_slice %arg2[%add3A_46, %dma_wait3A_86] : memref<2560x128xi32, #tpu.memory_space<hbm>> -> memref<40x128xi32, #tpu.memory_space<hbm>>
      tpu.wait_dma2 semaphore(%run_scoped3A : memref<!tpu.dma_semaphore, #tpu.memory_space<semaphore_mem>>) src(%dma_wait3A_87 : memref<40x128xi32, #tpu.memory_space<hbm>>) dst(%arg7 : memref<40x128xi32, #tpu.memory_space<vmem>>)
      tpu.yield
    }) : () -> ()
    %add3A_47 = arith.constant 40 : i32
    %add3A_48 = arith.addi %mul3A_11, %add3A_47 : i32
    "tpu.region"() ({
      %run_scoped3A = tpu.sem_alloc : memref<!tpu.dma_semaphore, #tpu.memory_space<semaphore_mem>>
      %dma_start3A_81 = arith.constant 0 : i32
      %dma_start3A_82 = tpu.memref_slice %arg3[%add3A_48, %dma_start3A_81] : memref<2560x128xi32, #tpu.memory_space<hbm>> -> memref<40x128xi32, #tpu.memory_space<hbm>>
      %dma_start3A_83 = arith.constant 0 : i32
      %dma_start3A_84 = tpu.memref_slice %arg3[%add3A_48, %dma_start3A_83] : memref<2560x128xi32, #tpu.memory_space<hbm>> -> memref<40x128xi32, #tpu.memory_space<hbm>>
      tpu.enqueue_dma source(%dma_start3A_84 : memref<40x128xi32, #tpu.memory_space<hbm>>) target(%arg8 : memref<40x128xi32, #tpu.memory_space<vmem>>) target_semaphore(%run_scoped3A : memref<!tpu.dma_semaphore, #tpu.memory_space<semaphore_mem>>)
      %dma_wait3A = arith.constant 0 : i32
      %dma_wait3A_85 = tpu.memref_slice %arg3[%add3A_48, %dma_wait3A] : memref<2560x128xi32, #tpu.memory_space<hbm>> -> memref<40x128xi32, #tpu.memory_space<hbm>>
      %dma_wait3A_86 = arith.constant 0 : i32
      %dma_wait3A_87 = tpu.memref_slice %arg3[%add3A_48, %dma_wait3A_86] : memref<2560x128xi32, #tpu.memory_space<hbm>> -> memref<40x128xi32, #tpu.memory_space<hbm>>
      tpu.wait_dma2 semaphore(%run_scoped3A : memref<!tpu.dma_semaphore, #tpu.memory_space<semaphore_mem>>) src(%dma_wait3A_87 : memref<40x128xi32, #tpu.memory_space<hbm>>) dst(%arg8 : memref<40x128xi32, #tpu.memory_space<vmem>>)
      tpu.yield
    }) : () -> ()
    %dma_start3A_49 = arith.constant 0 : i32
    %dma_start3A_50 = arith.constant 0 : i32
    %dma_start3A_51 = arith.constant 0 : i32
    %dma_start3A_52 = arith.constant 0 : i32
    %dma_start3A_53 = tpu.memref_slice %arg9[%dma_start3A_50, %dma_start3A_51, %dma_start3A_52] : memref<2x128x128xf32, #tpu.memory_space<vmem>> -> memref<1x128x128xf32, #tpu.memory_space<vmem>>
    %dma_start3A_54 = tpu.memref_squeeze %dma_start3A_53 : memref<1x128x128xf32, #tpu.memory_space<vmem>> -> memref<128x128xf32, #tpu.memory_space<vmem>>
    %dma_start3A_55 = arith.constant 0 : i32
    %dma_start3A_56 = tpu.memref_slice %arg7[%dma_start3A_49, %dma_start3A_55] : memref<40x128xi32, #tpu.memory_space<vmem>> -> memref<1x128xi32, #tpu.memory_space<vmem>>
    %dma_start3A_57 = tpu.memref_squeeze %dma_start3A_56 : memref<1x128xi32, #tpu.memory_space<vmem>> -> memref<128xi32, #tpu.memory_space<vmem>>
    %dma_start3A_58 = arith.constant 0 : i32
    %dma_start3A_59 = arith.constant 0 : i32
    %dma_start3A_60 = tpu.memref_slice %arg4[%dma_start3A_58, %dma_start3A_59] : memref<10240x128xf32, #tpu.memory_space<hbm>> -> memref<10240x128xf32, #tpu.memory_space<hbm>>
    tpu.enqueue_indirect_dma source(%dma_start3A_60 : memref<10240x128xf32, #tpu.memory_space<hbm>>) target(%dma_start3A_54 : memref<128x128xf32, #tpu.memory_space<vmem>>) offsets(%dma_start3A_57 : memref<128xi32, #tpu.memory_space<vmem>>) semaphore(%arg10 : memref<!tpu.dma_semaphore, #tpu.memory_space<semaphore_mem>>)
    %dma_start3A_61 = arith.constant 1 : i32
    %dma_start3A_62 = arith.constant 1 : i32
    %dma_start3A_63 = arith.constant 0 : i32
    %dma_start3A_64 = arith.constant 0 : i32
    %dma_start3A_65 = tpu.memref_slice %arg9[%dma_start3A_62, %dma_start3A_63, %dma_start3A_64] : memref<2x128x128xf32, #tpu.memory_space<vmem>> -> memref<1x128x128xf32, #tpu.memory_space<vmem>>
    %dma_start3A_66 = tpu.memref_squeeze %dma_start3A_65 : memref<1x128x128xf32, #tpu.memory_space<vmem>> -> memref<128x128xf32, #tpu.memory_space<vmem>>
    %dma_start3A_67 = arith.constant 0 : i32
    %dma_start3A_68 = tpu.memref_slice %arg7[%dma_start3A_61, %dma_start3A_67] : memref<40x128xi32, #tpu.memory_space<vmem>> -> memref<1x128xi32, #tpu.memory_space<vmem>>
    %dma_start3A_69 = tpu.memref_squeeze %dma_start3A_68 : memref<1x128xi32, #tpu.memory_space<vmem>> -> memref<128xi32, #tpu.memory_space<vmem>>
    %dma_start3A_70 = arith.constant 0 : i32
    %dma_start3A_71 = arith.constant 0 : i32
    %dma_start3A_72 = tpu.memref_slice %arg4[%dma_start3A_70, %dma_start3A_71] : memref<10240x128xf32, #tpu.memory_space<hbm>> -> memref<10240x128xf32, #tpu.memory_space<hbm>>
    tpu.enqueue_indirect_dma source(%dma_start3A_72 : memref<10240x128xf32, #tpu.memory_space<hbm>>) target(%dma_start3A_66 : memref<128x128xf32, #tpu.memory_space<vmem>>) offsets(%dma_start3A_69 : memref<128xi32, #tpu.memory_space<vmem>>) semaphore(%arg11 : memref<!tpu.dma_semaphore, #tpu.memory_space<semaphore_mem>>)
    %scan3A_73 = arith.constant 0 : i32
    %scan3A_74 = arith.constant 0 : i32
    %scan3A_75 = arith.constant 20 : i32
    %scan3A_76 = arith.addi %scan3A_74, %scan3A_75 : i32
    %scan3A_77 = arith.constant 1 : i32
    %scan3A_78 = scf.for %scan3A_81 = %scan3A_74 to %scan3A_76 step %scan3A_77 iter_args(%scan3A_82 = %scan3A_73) -> (i32)  : i32 {
      %mul3A_83 = arith.constant 2 : i32
      %mul3A_84 = arith.muli %mul3A_83, %scan3A_81 : i32
      %add3A_85 = arith.constant 0 : i32
      %add3A_86 = arith.addi %mul3A_84, %add3A_85 : i32
      %dma_wait3A = arith.constant 0 : i32
      %dma_wait3A_87 = arith.constant 0 : i32
      %dma_wait3A_88 = arith.constant 0 : i32
      %dma_wait3A_89 = tpu.memref_slice %arg9[%dma_wait3A, %dma_wait3A_87, %dma_wait3A_88] : memref<2x128x128xf32, #tpu.memory_space<vmem>> -> memref<1x128x128xf32, #tpu.memory_space<vmem>>
      %dma_wait3A_90 = tpu.memref_squeeze %dma_wait3A_89 : memref<1x128x128xf32, #tpu.memory_space<vmem>> -> memref<128x128xf32, #tpu.memory_space<vmem>>
      %dma_wait3A_91 = arith.constant 0 : i32
      %dma_wait3A_92 = tpu.memref_slice %arg7[%add3A_86, %dma_wait3A_91] : memref<40x128xi32, #tpu.memory_space<vmem>> -> memref<1x128xi32, #tpu.memory_space<vmem>>
      %dma_wait3A_93 = tpu.memref_squeeze %dma_wait3A_92 : memref<1x128xi32, #tpu.memory_space<vmem>> -> memref<128xi32, #tpu.memory_space<vmem>>
      %dma_wait3A_94 = arith.constant 0 : i32
      %dma_wait3A_95 = arith.constant 0 : i32
      %dma_wait3A_96 = tpu.memref_slice %arg4[%dma_wait3A_94, %dma_wait3A_95] : memref<10240x128xf32, #tpu.memory_space<hbm>> -> memref<10240x128xf32, #tpu.memory_space<hbm>>
      tpu.wait_indirect_dma semaphore(%arg10 : memref<!tpu.dma_semaphore, #tpu.memory_space<semaphore_mem>>) src(%dma_wait3A_96 : memref<10240x128xf32, #tpu.memory_space<hbm>>) dst(%dma_wait3A_90 : memref<128x128xf32, #tpu.memory_space<vmem>>)
      %run_scoped3A = arith.constant 0 : i32
      "tpu.region"() ({
        %run_scoped3A_127 = tpu.sem_alloc : memref<!tpu.dma_semaphore, #tpu.memory_space<semaphore_mem>>
        %dma_start3A_128 = arith.constant 0 : i32
        %dma_start3A_129 = arith.constant 0 : i32
        %dma_start3A_130 = tpu.memref_slice %arg9[%run_scoped3A, %dma_start3A_128, %dma_start3A_129] : memref<2x128x128xf32, #tpu.memory_space<vmem>> -> memref<1x128x128xf32, #tpu.memory_space<vmem>>
        %dma_start3A_131 = tpu.memref_squeeze %dma_start3A_130 : memref<1x128x128xf32, #tpu.memory_space<vmem>> -> memref<128x128xf32, #tpu.memory_space<vmem>>
        %dma_start3A_132 = arith.constant 0 : i32
        %dma_start3A_133 = tpu.memref_slice %arg8[%add3A_86, %dma_start3A_132] : memref<40x128xi32, #tpu.memory_space<vmem>> -> memref<1x128xi32, #tpu.memory_space<vmem>>
        %dma_start3A_134 = tpu.memref_squeeze %dma_start3A_133 : memref<1x128xi32, #tpu.memory_space<vmem>> -> memref<128xi32, #tpu.memory_space<vmem>>
        %dma_start3A_135 = arith.constant 0 : i32
        %dma_start3A_136 = arith.constant 0 : i32
        %dma_start3A_137 = tpu.memref_slice %arg6[%dma_start3A_135, %dma_start3A_136] : memref<10240x128xf32, #tpu.memory_space<vmem_shared>> -> memref<10240x128xf32, #tpu.memory_space<vmem_shared>>
        tpu.enqueue_indirect_dma source(%dma_start3A_131 : memref<128x128xf32, #tpu.memory_space<vmem>>) target(%dma_start3A_137 : memref<10240x128xf32, #tpu.memory_space<vmem_shared>>) offsets(%dma_start3A_134 : memref<128xi32, #tpu.memory_space<vmem>>) semaphore(%run_scoped3A_127 : memref<!tpu.dma_semaphore, #tpu.memory_space<semaphore_mem>>) {add = true}
        %dma_wait3A_138 = arith.constant 0 : i32
        %dma_wait3A_139 = arith.constant 0 : i32
        %dma_wait3A_140 = tpu.memref_slice %arg9[%run_scoped3A, %dma_wait3A_138, %dma_wait3A_139] : memref<2x128x128xf32, #tpu.memory_space<vmem>> -> memref<1x128x128xf32, #tpu.memory_space<vmem>>
        %dma_wait3A_141 = tpu.memref_squeeze %dma_wait3A_140 : memref<1x128x128xf32, #tpu.memory_space<vmem>> -> memref<128x128xf32, #tpu.memory_space<vmem>>
        %dma_wait3A_142 = arith.constant 0 : i32
        %dma_wait3A_143 = tpu.memref_slice %arg8[%add3A_86, %dma_wait3A_142] : memref<40x128xi32, #tpu.memory_space<vmem>> -> memref<1x128xi32, #tpu.memory_space<vmem>>
        %dma_wait3A_144 = tpu.memref_squeeze %dma_wait3A_143 : memref<1x128xi32, #tpu.memory_space<vmem>> -> memref<128xi32, #tpu.memory_space<vmem>>
        %dma_wait3A_145 = arith.constant 0 : i32
        %dma_wait3A_146 = arith.constant 0 : i32
        %dma_wait3A_147 = tpu.memref_slice %arg6[%dma_wait3A_145, %dma_wait3A_146] : memref<10240x128xf32, #tpu.memory_space<vmem_shared>> -> memref<10240x128xf32, #tpu.memory_space<vmem_shared>>
        tpu.wait_indirect_dma semaphore(%run_scoped3A_127 : memref<!tpu.dma_semaphore, #tpu.memory_space<semaphore_mem>>) src(%dma_wait3A_141 : memref<128x128xf32, #tpu.memory_space<vmem>>) dst(%dma_wait3A_147 : memref<10240x128xf32, #tpu.memory_space<vmem_shared>>)
        tpu.yield
      }) : () -> ()
      %add3A_97 = arith.constant 2 : i32
      %add3A_98 = arith.addi %add3A_86, %add3A_97 : i32
      %lt3A = arith.constant 40 : i32
      %lt3A_99 = arith.cmpi slt, %add3A_98, %lt3A : i32
      %convert_element_type3A_100 = arith.extui %lt3A_99 : i1 to i32
      %cond3A_101 = arith.constant 0 : i32
      %cond3A_102 = arith.cmpi ne, %convert_element_type3A_100, %cond3A_101 : i32
      scf.if %cond3A_102 {
        %add3A_127 = arith.constant 2 : i32
        %add3A_128 = arith.addi %add3A_86, %add3A_127 : i32
        %dma_start3A_129 = arith.constant 0 : i32
        %dma_start3A_130 = arith.constant 0 : i32
        %dma_start3A_131 = arith.constant 0 : i32
        %dma_start3A_132 = tpu.memref_slice %arg9[%dma_start3A_129, %dma_start3A_130, %dma_start3A_131] : memref<2x128x128xf32, #tpu.memory_space<vmem>> -> memref<1x128x128xf32, #tpu.memory_space<vmem>>
        %dma_start3A_133 = tpu.memref_squeeze %dma_start3A_132 : memref<1x128x128xf32, #tpu.memory_space<vmem>> -> memref<128x128xf32, #tpu.memory_space<vmem>>
        %dma_start3A_134 = arith.constant 0 : i32
        %dma_start3A_135 = tpu.memref_slice %arg7[%add3A_128, %dma_start3A_134] : memref<40x128xi32, #tpu.memory_space<vmem>> -> memref<1x128xi32, #tpu.memory_space<vmem>>
        %dma_start3A_136 = tpu.memref_squeeze %dma_start3A_135 : memref<1x128xi32, #tpu.memory_space<vmem>> -> memref<128xi32, #tpu.memory_space<vmem>>
        %dma_start3A_137 = arith.constant 0 : i32
        %dma_start3A_138 = arith.constant 0 : i32
        %dma_start3A_139 = tpu.memref_slice %arg4[%dma_start3A_137, %dma_start3A_138] : memref<10240x128xf32, #tpu.memory_space<hbm>> -> memref<10240x128xf32, #tpu.memory_space<hbm>>
        tpu.enqueue_indirect_dma source(%dma_start3A_139 : memref<10240x128xf32, #tpu.memory_space<hbm>>) target(%dma_start3A_133 : memref<128x128xf32, #tpu.memory_space<vmem>>) offsets(%dma_start3A_136 : memref<128xi32, #tpu.memory_space<vmem>>) semaphore(%arg10 : memref<!tpu.dma_semaphore, #tpu.memory_space<semaphore_mem>>)
      } else {
      }
      %mul3A_103 = arith.constant 2 : i32
      %mul3A_104 = arith.muli %mul3A_103, %scan3A_81 : i32
      %add3A_105 = arith.constant 1 : i32
      %add3A_106 = arith.addi %mul3A_104, %add3A_105 : i32
      %dma_wait3A_107 = arith.constant 1 : i32
      %dma_wait3A_108 = arith.constant 0 : i32
      %dma_wait3A_109 = arith.constant 0 : i32
      %dma_wait3A_110 = tpu.memref_slice %arg9[%dma_wait3A_107, %dma_wait3A_108, %dma_wait3A_109] : memref<2x128x128xf32, #tpu.memory_space<vmem>> -> memref<1x128x128xf32, #tpu.memory_space<vmem>>
      %dma_wait3A_111 = tpu.memref_squeeze %dma_wait3A_110 : memref<1x128x128xf32, #tpu.memory_space<vmem>> -> memref<128x128xf32, #tpu.memory_space<vmem>>
      %dma_wait3A_112 = arith.constant 0 : i32
      %dma_wait3A_113 = tpu.memref_slice %arg7[%add3A_106, %dma_wait3A_112] : memref<40x128xi32, #tpu.memory_space<vmem>> -> memref<1x128xi32, #tpu.memory_space<vmem>>
      %dma_wait3A_114 = tpu.memref_squeeze %dma_wait3A_113 : memref<1x128xi32, #tpu.memory_space<vmem>> -> memref<128xi32, #tpu.memory_space<vmem>>
      %dma_wait3A_115 = arith.constant 0 : i32
      %dma_wait3A_116 = arith.constant 0 : i32
      %dma_wait3A_117 = tpu.memref_slice %arg4[%dma_wait3A_115, %dma_wait3A_116] : memref<10240x128xf32, #tpu.memory_space<hbm>> -> memref<10240x128xf32, #tpu.memory_space<hbm>>
      tpu.wait_indirect_dma semaphore(%arg11 : memref<!tpu.dma_semaphore, #tpu.memory_space<semaphore_mem>>) src(%dma_wait3A_117 : memref<10240x128xf32, #tpu.memory_space<hbm>>) dst(%dma_wait3A_111 : memref<128x128xf32, #tpu.memory_space<vmem>>)
      %run_scoped3A_118 = arith.constant 1 : i32
      "tpu.region"() ({
        %run_scoped3A_127 = tpu.sem_alloc : memref<!tpu.dma_semaphore, #tpu.memory_space<semaphore_mem>>
        %dma_start3A_128 = arith.constant 0 : i32
        %dma_start3A_129 = arith.constant 0 : i32
        %dma_start3A_130 = tpu.memref_slice %arg9[%run_scoped3A_118, %dma_start3A_128, %dma_start3A_129] : memref<2x128x128xf32, #tpu.memory_space<vmem>> -> memref<1x128x128xf32, #tpu.memory_space<vmem>>
        %dma_start3A_131 = tpu.memref_squeeze %dma_start3A_130 : memref<1x128x128xf32, #tpu.memory_space<vmem>> -> memref<128x128xf32, #tpu.memory_space<vmem>>
        %dma_start3A_132 = arith.constant 0 : i32
        %dma_start3A_133 = tpu.memref_slice %arg8[%add3A_106, %dma_start3A_132] : memref<40x128xi32, #tpu.memory_space<vmem>> -> memref<1x128xi32, #tpu.memory_space<vmem>>
        %dma_start3A_134 = tpu.memref_squeeze %dma_start3A_133 : memref<1x128xi32, #tpu.memory_space<vmem>> -> memref<128xi32, #tpu.memory_space<vmem>>
        %dma_start3A_135 = arith.constant 0 : i32
        %dma_start3A_136 = arith.constant 0 : i32
        %dma_start3A_137 = tpu.memref_slice %arg6[%dma_start3A_135, %dma_start3A_136] : memref<10240x128xf32, #tpu.memory_space<vmem_shared>> -> memref<10240x128xf32, #tpu.memory_space<vmem_shared>>
        tpu.enqueue_indirect_dma source(%dma_start3A_131 : memref<128x128xf32, #tpu.memory_space<vmem>>) target(%dma_start3A_137 : memref<10240x128xf32, #tpu.memory_space<vmem_shared>>) offsets(%dma_start3A_134 : memref<128xi32, #tpu.memory_space<vmem>>) semaphore(%run_scoped3A_127 : memref<!tpu.dma_semaphore, #tpu.memory_space<semaphore_mem>>) {add = true}
        %dma_wait3A_138 = arith.constant 0 : i32
        %dma_wait3A_139 = arith.constant 0 : i32
        %dma_wait3A_140 = tpu.memref_slice %arg9[%run_scoped3A_118, %dma_wait3A_138, %dma_wait3A_139] : memref<2x128x128xf32, #tpu.memory_space<vmem>> -> memref<1x128x128xf32, #tpu.memory_space<vmem>>
        %dma_wait3A_141 = tpu.memref_squeeze %dma_wait3A_140 : memref<1x128x128xf32, #tpu.memory_space<vmem>> -> memref<128x128xf32, #tpu.memory_space<vmem>>
        %dma_wait3A_142 = arith.constant 0 : i32
        %dma_wait3A_143 = tpu.memref_slice %arg8[%add3A_106, %dma_wait3A_142] : memref<40x128xi32, #tpu.memory_space<vmem>> -> memref<1x128xi32, #tpu.memory_space<vmem>>
        %dma_wait3A_144 = tpu.memref_squeeze %dma_wait3A_143 : memref<1x128xi32, #tpu.memory_space<vmem>> -> memref<128xi32, #tpu.memory_space<vmem>>
        %dma_wait3A_145 = arith.constant 0 : i32
        %dma_wait3A_146 = arith.constant 0 : i32
        %dma_wait3A_147 = tpu.memref_slice %arg6[%dma_wait3A_145, %dma_wait3A_146] : memref<10240x128xf32, #tpu.memory_space<vmem_shared>> -> memref<10240x128xf32, #tpu.memory_space<vmem_shared>>
        tpu.wait_indirect_dma semaphore(%run_scoped3A_127 : memref<!tpu.dma_semaphore, #tpu.memory_space<semaphore_mem>>) src(%dma_wait3A_141 : memref<128x128xf32, #tpu.memory_space<vmem>>) dst(%dma_wait3A_147 : memref<10240x128xf32, #tpu.memory_space<vmem_shared>>)
        tpu.yield
      }) : () -> ()
      %add3A_119 = arith.constant 2 : i32
      %add3A_120 = arith.addi %add3A_106, %add3A_119 : i32
      %lt3A_121 = arith.constant 40 : i32
      %lt3A_122 = arith.cmpi slt, %add3A_120, %lt3A_121 : i32
      %convert_element_type3A_123 = arith.extui %lt3A_122 : i1 to i32
      %cond3A_124 = arith.constant 0 : i32
      %cond3A_125 = arith.cmpi ne, %convert_element_type3A_123, %cond3A_124 : i32
      scf.if %cond3A_125 {
        %add3A_127 = arith.constant 2 : i32
        %add3A_128 = arith.addi %add3A_106, %add3A_127 : i32
        %dma_start3A_129 = arith.constant 1 : i32
        %dma_start3A_130 = arith.constant 0 : i32
        %dma_start3A_131 = arith.constant 0 : i32
        %dma_start3A_132 = tpu.memref_slice %arg9[%dma_start3A_129, %dma_start3A_130, %dma_start3A_131] : memref<2x128x128xf32, #tpu.memory_space<vmem>> -> memref<1x128x128xf32, #tpu.memory_space<vmem>>
        %dma_start3A_133 = tpu.memref_squeeze %dma_start3A_132 : memref<1x128x128xf32, #tpu.memory_space<vmem>> -> memref<128x128xf32, #tpu.memory_space<vmem>>
        %dma_start3A_134 = arith.constant 0 : i32
        %dma_start3A_135 = tpu.memref_slice %arg7[%add3A_128, %dma_start3A_134] : memref<40x128xi32, #tpu.memory_space<vmem>> -> memref<1x128xi32, #tpu.memory_space<vmem>>
        %dma_start3A_136 = tpu.memref_squeeze %dma_start3A_135 : memref<1x128xi32, #tpu.memory_space<vmem>> -> memref<128xi32, #tpu.memory_space<vmem>>
        %dma_start3A_137 = arith.constant 0 : i32
        %dma_start3A_138 = arith.constant 0 : i32
        %dma_start3A_139 = tpu.memref_slice %arg4[%dma_start3A_137, %dma_start3A_138] : memref<10240x128xf32, #tpu.memory_space<hbm>> -> memref<10240x128xf32, #tpu.memory_space<hbm>>
        tpu.enqueue_indirect_dma source(%dma_start3A_139 : memref<10240x128xf32, #tpu.memory_space<hbm>>) target(%dma_start3A_133 : memref<128x128xf32, #tpu.memory_space<vmem>>) offsets(%dma_start3A_136 : memref<128xi32, #tpu.memory_space<vmem>>) semaphore(%arg11 : memref<!tpu.dma_semaphore, #tpu.memory_space<semaphore_mem>>)
      } else {
      }
      %scan3A_126 = arith.constant 0 : i32
      scf.yield %scan3A_126 : i32
    }
    %scan3A_79 = arith.constant 20 : i32
    %barrier3A_80 = arith.constant 0 : index
    tpu.barrier barrier_id(%barrier3A_80)
    "tpu.region"() ({
      %run_scoped3A = tpu.sem_alloc : memref<!tpu.dma_semaphore, #tpu.memory_space<semaphore_mem>>
      %dma_start3A_81 = arith.constant 0 : i32
      %dma_start3A_82 = arith.constant 0 : i32
      %dma_start3A_83 = tpu.memref_slice %arg5[%arg0, %dma_start3A_81, %dma_start3A_82] : memref<2x10240x128xf32, #tpu.memory_space<hbm>> -> memref<1x10240x128xf32, #tpu.memory_space<hbm>>
      %dma_start3A_84 = tpu.memref_squeeze %dma_start3A_83 : memref<1x10240x128xf32, #tpu.memory_space<hbm>> -> memref<10240x128xf32, #tpu.memory_space<hbm>>
      %dma_start3A_85 = arith.constant 0 : i32
      %dma_start3A_86 = tpu.memref_slice %dma_start3A_84[%mul3A_0, %dma_start3A_85] : memref<10240x128xf32, #tpu.memory_space<hbm>> -> memref<640x128xf32, #tpu.memory_space<hbm>>
      %dma_start3A_87 = arith.constant 0 : i32
      %dma_start3A_88 = tpu.memref_slice %arg6[%mul3A_0, %dma_start3A_87] : memref<10240x128xf32, #tpu.memory_space<vmem_shared>> -> memref<640x128xf32, #tpu.memory_space<vmem_shared>>
      tpu.enqueue_dma source(%dma_start3A_88 : memref<640x128xf32, #tpu.memory_space<vmem_shared>>) target(%dma_start3A_86 : memref<640x128xf32, #tpu.memory_space<hbm>>) target_semaphore(%run_scoped3A : memref<!tpu.dma_semaphore, #tpu.memory_space<semaphore_mem>>)
      %dma_wait3A = arith.constant 0 : i32
      %dma_wait3A_89 = arith.constant 0 : i32
      %dma_wait3A_90 = tpu.memref_slice %arg5[%arg0, %dma_wait3A, %dma_wait3A_89] : memref<2x10240x128xf32, #tpu.memory_space<hbm>> -> memref<1x10240x128xf32, #tpu.memory_space<hbm>>
      %dma_wait3A_91 = tpu.memref_squeeze %dma_wait3A_90 : memref<1x10240x128xf32, #tpu.memory_space<hbm>> -> memref<10240x128xf32, #tpu.memory_space<hbm>>
      %dma_wait3A_92 = arith.constant 0 : i32
      %dma_wait3A_93 = tpu.memref_slice %dma_wait3A_91[%mul3A_0, %dma_wait3A_92] : memref<10240x128xf32, #tpu.memory_space<hbm>> -> memref<640x128xf32, #tpu.memory_space<hbm>>
      %dma_wait3A_94 = arith.constant 0 : i32
      %dma_wait3A_95 = tpu.memref_slice %arg6[%mul3A_0, %dma_wait3A_94] : memref<10240x128xf32, #tpu.memory_space<vmem_shared>> -> memref<640x128xf32, #tpu.memory_space<vmem_shared>>
      tpu.wait_dma2 semaphore(%run_scoped3A : memref<!tpu.dma_semaphore, #tpu.memory_space<semaphore_mem>>) src(%dma_wait3A_95 : memref<640x128xf32, #tpu.memory_space<vmem_shared>>) dst(%dma_wait3A_93 : memref<640x128xf32, #tpu.memory_space<hbm>>)
      tpu.yield
    }) : () -> ()
    return
  }
}

module attributes {stable_mosaic.version = 14 : i64} {
  func.func @_tc_body(%arg0: memref<10000x128xf32, #tpu.memory_space<vmem>>, %arg1: memref<128x128xf32, #tpu.memory_space<vmem>>, %arg2: memref<128xf32, #tpu.memory_space<vmem>>, %arg3: memref<2x10240xf32, #tpu.memory_space<vmem>>, %arg4: memref<10240x128xf32, #tpu.memory_space<vmem>>, %arg5: memref<10240xf32, #tpu.memory_space<vmem>>) attributes {dimension_semantics = [], scalar_prefetch = 0 : i64, scratch_operands = 0 : i64, tpu.core_type = #tpu.core_type<tc>} {
    %get3A = arith.constant 0 : index
    %get3A_0 = arith.constant 0 : index
    %get3A_1 = vector.load %arg1[%get3A, %get3A_0] : memref<128x128xf32, #tpu.memory_space<vmem>>, vector<128x128xf32>
    %get3A_2 = arith.constant 0 : index
    %get3A_3 = vector.load %arg2[%get3A_2] : memref<128xf32, #tpu.memory_space<vmem>>, vector<128xf32>
    %reshape3A = vector.shape_cast %get3A_3 : vector<128xf32> to vector<1x128xf32>
    %dot_general3A = arith.constant dense<0.000000e+00> : vector<1x128xf32>
    %dot_general3A_4 = tpu.matmul %reshape3A, %get3A_1, %dot_general3A {dimension_numbers = #tpu.dot_dimension_numbers<[1], [0], [0], [1], [0, 0, 1, 1], [], []>, transpose_lhs_hint = false} : vector<1x128xf32>, vector<128x128xf32>, vector<1x128xf32> -> vector<1x128xf32>
    %mul3A = arith.mulf %dot_general3A_4, %dot_general3A_4 : vector<1x128xf32>
    %reduce_sum3A = vector.shape_cast %mul3A : vector<1x128xf32> to vector<1x1x128xf32>
    %reduce_sum3A_5 = arith.constant dense<0.000000e+00> : vector<1xf32>
    %reduce_sum3A_6 = vector.multi_reduction <add>, %reduce_sum3A, %reduce_sum3A_5 [1, 2] : vector<1x1x128xf32> to vector<1xf32>
    %reduce_sum3A_7 = vector.shape_cast %reduce_sum3A_6 : vector<1xf32> to vector<1x1x1xf32>
    %reduce_sum3A_8 = vector.extract %reduce_sum3A_7[0, 0, 0] : f32 from vector<1x1x1xf32>
    %sqrt3A = math.sqrt %reduce_sum3A_8 : f32
    %add3A = arith.constant 9.99999996E-13 : f32
    %add3A_9 = arith.addf %sqrt3A, %add3A : f32
    %div3A = vector.broadcast %add3A_9 : f32 to vector<1x128xf32>
    %div3A_10 = arith.divf %dot_general3A_4, %div3A : vector<1x128xf32>
    %transpose3A = tpu.transpose %get3A_1, [1, 0] : vector<128x128xf32> -> vector<128x128xf32>
    %dot_general3A_11 = arith.constant dense<0.000000e+00> : vector<1x128xf32>
    %dot_general3A_12 = tpu.matmul %div3A_10, %transpose3A, %dot_general3A_11 {dimension_numbers = #tpu.dot_dimension_numbers<[1], [0], [0], [1], [0, 0, 1, 1], [], []>, transpose_lhs_hint = false} : vector<1x128xf32>, vector<128x128xf32>, vector<1x128xf32> -> vector<1x128xf32>
    %mul3A_13 = arith.mulf %dot_general3A_12, %dot_general3A_12 : vector<1x128xf32>
    %reduce_sum3A_14 = vector.shape_cast %mul3A_13 : vector<1x128xf32> to vector<1x1x128xf32>
    %reduce_sum3A_15 = arith.constant dense<0.000000e+00> : vector<1xf32>
    %reduce_sum3A_16 = vector.multi_reduction <add>, %reduce_sum3A_14, %reduce_sum3A_15 [1, 2] : vector<1x1x128xf32> to vector<1xf32>
    %reduce_sum3A_17 = vector.shape_cast %reduce_sum3A_16 : vector<1xf32> to vector<1x1x1xf32>
    %reduce_sum3A_18 = vector.extract %reduce_sum3A_17[0, 0, 0] : f32 from vector<1x1x1xf32>
    %sqrt3A_19 = math.sqrt %reduce_sum3A_18 : f32
    %add3A_20 = arith.constant 9.99999996E-13 : f32
    %add3A_21 = arith.addf %sqrt3A_19, %add3A_20 : f32
    %div3A_22 = vector.broadcast %add3A_21 : f32 to vector<1x128xf32>
    %div3A_23 = arith.divf %dot_general3A_12, %div3A_22 : vector<1x128xf32>
    %mul3A_24 = arith.mulf %div3A_23, %dot_general3A_12 : vector<1x128xf32>
    %reduce_sum3A_25 = vector.shape_cast %mul3A_24 : vector<1x128xf32> to vector<1x1x128xf32>
    %reduce_sum3A_26 = arith.constant dense<0.000000e+00> : vector<1xf32>
    %reduce_sum3A_27 = vector.multi_reduction <add>, %reduce_sum3A_25, %reduce_sum3A_26 [1, 2] : vector<1x1x128xf32> to vector<1xf32>
    %reduce_sum3A_28 = vector.shape_cast %reduce_sum3A_27 : vector<1xf32> to vector<1x1x1xf32>
    %reduce_sum3A_29 = vector.extract %reduce_sum3A_28[0, 0, 0] : f32 from vector<1x1x1xf32>
    %get3A_30 = arith.constant 0 : index
    %get3A_31 = arith.constant 0 : index
    %get3A_32 = vector.load %arg0[%get3A_30, %get3A_31] : memref<10000x128xf32, #tpu.memory_space<vmem>>, vector<10000x128xf32>
    %div3A_33 = vector.broadcast %reduce_sum3A_29 : f32 to vector<128x128xf32>
    %div3A_34 = arith.divf %get3A_1, %div3A_33 : vector<128x128xf32>
    %dot_general3A_35 = arith.constant dense<0.000000e+00> : vector<10000x128xf32>
    %dot_general3A_36 = tpu.matmul %get3A_32, %div3A_34, %dot_general3A_35 {dimension_numbers = #tpu.dot_dimension_numbers<[1], [0], [0], [1], [0, 0, 1, 1], [], []>, transpose_lhs_hint = false} : vector<10000x128xf32>, vector<128x128xf32>, vector<10000x128xf32> -> vector<10000x128xf32>
    %get3A_37 = arith.constant 0 : index
    %get3A_38 = arith.constant 0 : index
    %get3A_39 = vector.load %arg3[%get3A_37, %get3A_38] : memref<2x10240xf32, #tpu.memory_space<vmem>>, vector<1x10240xf32>
    %get3A_40 = vector.shape_cast %get3A_39 : vector<1x10240xf32> to vector<10240xf32>
    %get3A_41 = arith.constant 1 : index
    %get3A_42 = arith.constant 0 : index
    %get3A_43 = vector.load %arg3[%get3A_41, %get3A_42] : memref<2x10240xf32, #tpu.memory_space<vmem>>, vector<1x10240xf32>
    %get3A_44 = vector.shape_cast %get3A_43 : vector<1x10240xf32> to vector<10240xf32>
    %add3A_45 = arith.addf %get3A_40, %get3A_44 : vector<10240xf32>
    %add3A_46 = arith.constant 1.000000e+00 : f32
    %add3A_47 = vector.broadcast %add3A_46 : f32 to vector<10240xf32>
    %add3A_48 = arith.addf %add3A_45, %add3A_47 : vector<10240xf32>
    %sqrt3A_49 = math.sqrt %add3A_48 : vector<10240xf32>
    %div3A_50 = arith.constant 1.000000e+00 : f32
    %div3A_51 = vector.broadcast %div3A_50 : f32 to vector<10240xf32>
    %div3A_52 = arith.divf %div3A_51, %sqrt3A_49 : vector<10240xf32>
    %jit3A = arith.constant 0 : i32
    %convert_element_type3A = arith.sitofp %jit3A : i32 to f32
    %pad3A = vector.broadcast %convert_element_type3A : f32 to vector<240x128xf32>
    %pad3A_53 = tpu.concatenate %dot_general3A_36, %pad3A in 0 : vector<10000x128xf32>, vector<240x128xf32> -> vector<10240x128xf32>
    %broadcast_in_dim3A = vector.shape_cast %div3A_52 : vector<10240xf32> to vector<10240x1xf32>
    %mul3A_54 = vector.broadcast %broadcast_in_dim3A : vector<10240x1xf32> to vector<10240x128xf32>
    %mul3A_55 = arith.mulf %pad3A_53, %mul3A_54 : vector<10240x128xf32>
    %swap3A = arith.constant 0 : index
    %swap3A_56 = arith.constant 0 : index
    %swap3A_57 = vector.load %arg4[%swap3A, %swap3A_56] : memref<10240x128xf32, #tpu.memory_space<vmem>>, vector<10240x128xf32>
    tpu.vector_store %arg4[%swap3A, %swap3A_56], %mul3A_55 {strides = array<i32>} : memref<10240x128xf32, #tpu.memory_space<vmem>>, vector<10240x128xf32>,
    %swap3A_58 = arith.constant 0 : index
    %swap3A_59 = vector.load %arg5[%swap3A_58] : memref<10240xf32, #tpu.memory_space<vmem>>, vector<10240xf32>
    tpu.vector_store %arg5[%swap3A_58], %div3A_52 {strides = array<i32>} : memref<10240xf32, #tpu.memory_space<vmem>>, vector<10240xf32>,
    return
  }
}

module attributes {stable_mosaic.version = 14 : i64} {
  func.func @_fin_body(%arg0: memref<2x10240x128xf32, #tpu.memory_space<vmem>>, %arg1: memref<10240xf32, #tpu.memory_space<vmem>>, %arg2: memref<128xf32, #tpu.memory_space<vmem>>, %arg3: memref<10000x128xf32, #tpu.memory_space<vmem>>) attributes {dimension_semantics = [], scalar_prefetch = 0 : i64, scratch_operands = 0 : i64, tpu.core_type = #tpu.core_type<tc>} {
    %get3A = arith.constant 0 : index
    %get3A_0 = vector.load %arg1[%get3A] : memref<10240xf32, #tpu.memory_space<vmem>>, vector<10000xf32>
    %broadcast_in_dim3A = vector.shape_cast %get3A_0 : vector<10000xf32> to vector<10000x1xf32>
    %get3A_1 = arith.constant 0 : index
    %get3A_2 = arith.constant 0 : index
    %get3A_3 = arith.constant 0 : index
    %get3A_4 = vector.load %arg0[%get3A_1, %get3A_2, %get3A_3] : memref<2x10240x128xf32, #tpu.memory_space<vmem>>, vector<1x10000x128xf32>
    %get3A_5 = vector.shape_cast %get3A_4 : vector<1x10000x128xf32> to vector<10000x128xf32>
    %get3A_6 = arith.constant 1 : index
    %get3A_7 = arith.constant 0 : index
    %get3A_8 = arith.constant 0 : index
    %get3A_9 = vector.load %arg0[%get3A_6, %get3A_7, %get3A_8] : memref<2x10240x128xf32, #tpu.memory_space<vmem>>, vector<1x10000x128xf32>
    %get3A_10 = vector.shape_cast %get3A_9 : vector<1x10000x128xf32> to vector<10000x128xf32>
    %add3A = arith.addf %get3A_5, %get3A_10 : vector<10000x128xf32>
    %mul3A = vector.broadcast %broadcast_in_dim3A : vector<10000x1xf32> to vector<10000x128xf32>
    %mul3A_11 = arith.mulf %add3A, %mul3A : vector<10000x128xf32>
    %get3A_12 = arith.constant 0 : index
    %get3A_13 = vector.load %arg2[%get3A_12] : memref<128xf32, #tpu.memory_space<vmem>>, vector<128xf32>
    %broadcast_in_dim3A_14 = vector.shape_cast %get3A_13 : vector<128xf32> to vector<1x128xf32>
    %add3A_15 = vector.broadcast %broadcast_in_dim3A_14 : vector<1x128xf32> to vector<10000x128xf32>
    %add3A_16 = arith.addf %mul3A_11, %add3A_15 : vector<10000x128xf32>
    %swap3A = arith.constant 0 : index
    %swap3A_17 = arith.constant 0 : index
    %swap3A_18 = vector.load %arg3[%swap3A, %swap3A_17] : memref<10000x128xf32, #tpu.memory_space<vmem>>, vector<10000x128xf32>
    tpu.vector_store %arg3[%swap3A, %swap3A_17], %add3A_16 {strides = array<i32>} : memref<10000x128xf32, #tpu.memory_space<vmem>>, vector<10000x128xf32>,
    return
  }
}

</mosaic_0001>

<sc_bundles>
// kernel: kernel.6.cloned.1.call-start
scs
__scs_entry_jumppad:
0x0: {  	(pc) =	sbr.rel $0x88, $3  }
0x1: {  	(tag) =	ssettag $0x0;
	lr =	simm.s32 $0x1  }
0x2: {  	[smem:$0x3F9C] =	sst lr;
	_ =	strace $0xD0000000  }
0x3: {  	_ = 	snop  }
0x4: {  	_ = 	snop  }
0x5: {  	_ = 	snop  }
0x6: {  	_ = 	snop  }
0x7: {  	_ = 	snop  }
__scs_overlays_trampoline_lowered:
0x8: {  	[smem:$0x3FAB] =	sst s0  }
0x9: {  	[smem:$0x3FAC] =	sst s1  }
0xa: {  	[smem:$0x3FAD] =	sst s2  }
0xb: {  	[smem:$0x3FAE] =	sst s3  }
0xc: {  	[smem:$0x3FAF] =	sst s4  }
0xd: {  	[smem:$0x3FB0] =	sst s5  }
0xe: {  	[smem:$0x3FB1] =	sst s6  }
0xf: {  	[smem:$0x3FB2] =	sst s7  }
0x10: {  	[smem:$0x3FB3] =	sst s8  }
0x11: {  	[smem:$0x3FB4] =	sst s9;
	s0 =	simm.s32 @!p0 $0x0  }
0x12: {  	s1 =	sld [smem:$0x3F9A];
	s0 =	simm.s32 @p0 $0x1  }
0x13: {  	[smem:$0x3FB5] =	sst s0;
	s0 =	simm.s32 @!p1 $0x0  }
0x14: {  	s2 =	sld [smem:$0x3F99];
	s0 =	simm.s32 @p1 $0x1  }
0x15: {  	[smem:$0x3FB6] =	sst s0;
	s0 =	simm.s32 @!p2 $0x0  }
0x16: {  	s3 =	sld [smem:$0x3FDB];
	s0 =	simm.s32 @p2 $0x1  }
0x17: {  	s4 =	simm.s32 $0x1BF5;
	[smem:$0x3FB8] =	sst s0  }
0x18: {  	s0 =	sld [smem:$0x3F9B];
	_ =	swait.ge [sflag:s4], $0x0  }
0x19: {  	s7 =	sld [smem:$0x3F9C]  }
0x1a: {  	s8 =	sadd.s32 $0xFFFFE003, lr  }
0x1b: {  	s9 =	sadd.s32 $0xFFFFFEF7, lr;
	s5 =	simm.s32 $0xFFFFFFFF;
	p2 =	slt.u32 s8, $0xFFFFF086  }
0x1c: {  	p1 =	slt.u32 s9, $0xF7A;
	s5 =	simm.s32 @!p2 $0x0  }
0x1d: {  	s5 =	simm.s32 @p1 $0x1;
	p0 =	seq.s32 s7, s2  }
0x1e: {  	s7 =	smul.u32 @!p0 $0xF7A, s2;
	p2 =	seq.s32 @!p0 s5, $0x0  }
0x1f: {  	s9 =	smul.u32 $0xF7A, s1;
	s8 =	simm.s32 @!p0 $0x1BF5;
	p2 =	por !p2, p0  }
0x20: {  	[sflag:s8] =	ssyncset.s32 @!p0 $0xFFFFF086;
	s6 =	sadd.s32 @!p0 s3, s7;
	s7 =	simm.s32 @!p0 $0x108  }
0x21: {  	s3 =	sadd.s32 s3, s9;
	s6 =	sadd.s32 @!p0 $0x88, s6;
	s7 =	simm.s32 @p2 $0x1082  }
0x22: {  	[simem:s7], [sflag:s8] =	dma.local @!p0 [hbm:s6], $0xF7A  }
0x23: {  	s9 =	sor.u32 $0xD0000000, s2;
	s6 =	simm.s32 $0x108;
	_ =	swait.ge @!p0 [sflag:s8], $0x0  }
0x24: {  	s3 =	sadd.s32 $0x88, s3;
	s6 =	simm.s32 @!p1 $0x1082;
	[sflag:s4] =	ssyncset.s32 $0xFFFFF086  }
0x25: {  	[simem:s6], [sflag:s4] =	dma.local [hbm:s3], $0xF7A  }
0x26: {  	[smem:$0x3F9C] =	sst s1;
	(tag) =	ssettag s2;
	_ =	strace s9  }
0x27: {  	s1 =	sld [smem:$0x3FAC]  }
0x28: {  	s2 =	sld [smem:$0x3FAD]  }
0x29: {  	s4 =	sld [smem:$0x3FAF]  }
0x2a: {  	p0 =	seq.s32 s5, $0x0;
	s5 =	sld [smem:$0x3FB0]  }
0x2b: {  	s6 =	sld [smem:$0x3FB1]  }
0x2c: {  	s7 =	sld [smem:$0x3FB2]  }
0x2d: {  	s3 =	simm.s32 $0x108;
	s8 =	sld [smem:$0x3FB3]  }
0x2e: {  	s3 =	simm.s32 @!p0 $0x1082;
	s9 =	sld [smem:$0x3FB4]  }
0x2f: {  	lr =	sadd.s32 s0, s3;
	s0 =	sld [smem:$0x3FAB]  }
0x30: {  	s3 =	sld [smem:$0x3FAE]  }
0x31: {  	[smem:$0x3FB7] =	sst s10  }
0x32: {  	s10 =	sld [smem:$0x3FB5];
	_ =	sdelay $0x3  }
0x33: {  	p0 =	seq.s32 s10, $0x1;
	s10 =	sld [smem:$0x3FB7];
	_ =	sdelay $0x3  }
0x34: {  	[smem:$0x3FB7] =	sst s10  }
0x35: {  	s10 =	sld [smem:$0x3FB6];
	_ =	sdelay $0x3  }
0x36: {  	p1 =	seq.s32 s10, $0x1;
	s10 =	sld [smem:$0x3FB7];
	_ =	sdelay $0x3  }
0x37: {  	[smem:$0x3FB7] =	sst s10  }
0x38: {  	s10 =	sld [smem:$0x3FB8]  }
0x39: {  	_ = 	snop;
	(pc) =	sbr.ind lr, $3  }
0x3a: {  	_ = 	snop  }
0x3b: {  	_ = 	snop  }
0x3c: {  	p2 =	seq.s32 s10, $0x1;
	s10 =	sld [smem:$0x3FB7]  }
0x3d: {  	_ =	shalt  }
0x3e: {  	_ =	shalt  }
0x3f: {  	_ =	shalt  }
0x40: {  	_ =	shalt  }
0x41: {  	_ =	shalt  }
0x42: {  	_ =	shalt  }
0x43: {  	_ =	shalt  }
0x44: {  	_ =	shalt  }
0x45: {  	_ =	shalt  }
0x46: {  	_ =	shalt  }
0x47: {  	_ =	shalt  }
0x48: {  	_ =	shalt  }
0x49: {  	_ =	shalt  }
0x4a: {  	_ =	shalt  }
0x4b: {  	_ =	shalt  }
0x4c: {  	_ =	shalt  }
0x4d: {  	_ =	shalt  }
0x4e: {  	_ =	shalt  }
0x4f: {  	_ =	shalt  }
0x50: {  	_ =	shalt  }
0x51: {  	_ =	shalt  }
0x52: {  	_ =	shalt  }
0x53: {  	_ =	shalt  }
0x54: {  	_ =	shalt  }
0x55: {  	_ =	shalt  }
0x56: {  	_ =	shalt  }
0x57: {  	_ =	shalt  }
0x58: {  	_ =	shalt  }
0x59: {  	_ =	shalt  }
0x5a: {  	_ =	shalt  }
0x5b: {  	_ =	shalt  }
0x5c: {  	_ =	shalt  }
0x5d: {  	_ =	shalt  }
0x5e: {  	_ =	shalt  }
0x5f: {  	_ =	shalt  }
0x60: {  	_ =	shalt  }
0x61: {  	_ =	shalt  }
0x62: {  	_ =	shalt  }
0x63: {  	_ =	shalt  }
0x64: {  	_ =	shalt  }
0x65: {  	_ =	shalt  }
0x66: {  	_ =	shalt  }
0x67: {  	_ =	shalt  }
0x68: {  	_ =	shalt  }
0x69: {  	_ =	shalt  }
0x6a: {  	_ =	shalt  }
0x6b: {  	_ =	shalt  }
0x6c: {  	_ =	shalt  }
0x6d: {  	_ =	shalt  }
0x6e: {  	_ =	shalt  }
0x6f: {  	_ =	shalt  }
0x70: {  	_ =	shalt  }
0x71: {  	_ =	shalt  }
0x72: {  	_ =	shalt  }
0x73: {  	_ =	shalt  }
0x74: {  	_ =	shalt  }
0x75: {  	_ =	shalt  }
0x76: {  	_ =	shalt  }
0x77: {  	_ =	shalt  }
0x78: {  	_ =	shalt  }
0x79: {  	_ =	shalt  }
0x7a: {  	_ =	shalt  }
0x7b: {  	_ =	shalt  }
0x7c: {  	_ =	shalt  }
0x7d: {  	_ =	shalt  }
0x7e: {  	_ =	shalt  }
0x7f: {  	_ =	shalt  }
0x80: {  	_ =	shalt  }
0x81: {  	_ =	shalt  }
0x82: {  	_ =	shalt  }
0x83: {  	_ =	shalt  }
0x84: {  	_ =	shalt  }
0x85: {  	_ =	shalt  }
0x86: {  	_ =	shalt  }
0x87: {  	_ =	shalt  }
.Lfunc_end0:
.L_simem_size_0:
called_computation_lowered:
.L_overlay_start_0:
0x88: {  	s2 =	sld [smem:$0x3FD9]  }
0x89: {  	s3 =	sld [smem:$0x3FFE];
	_ =	sdelay $0x1  }
0x8a: {  	s1 =	srdreg.scid  }
0x8b: {  	s0 =	sand.u32 $0x1, s1  }
0x8c: {  	s17 =	sshll.u32 s0, $0xA;
	s2 =	sadd.s32 s3, s2  }
0x8d: {  	s2 =	sadd.s32 s2, s17  }
0x8e: {  	[smem:$0x3FC3] =	sst s2  }
0x8f: {  	_ = 	snop  }
0x90: {  	s2 =	sld [smem:$0x3FD0];
	(tm) =	ssettm $0x1  }
0x91: {  	s18 =	sld [smem:$0x3FFB];
	_ =	sdelay $0x3  }
0x92: {  	_ =	strace s18  }
0x93: {  	s3 =	sld [smem:$0x3FFC];
	_ =	sdelay $0x3  }
0x94: {  	_ =	strace s3  }
0x95: {  	s3 =	sld [smem:$0x3FFD];
	_ =	sdelay $0x3  }
0x96: {  	_ =	strace s3  }
0x97: {  	_ =	strace $0x8FFFFFFF  }
0x98: {  	s19 =	sld [smem:$0x3FDB];
	_ =	sdelay $0x1  }
0x99: {  	s4 =	simm.s32 $_scs_section_size  }
0x9a: {  	s5 =	simm.s32 $_size__tile_overlayer_lowered;
	s6 =	simm.s32 $_tile_overlayer_lowered  }
0x9b: {  	s22 =	simm.s32 $0x1BFF;
	s21 =	sshll.u32 s6, $0x1;
	s3 =	sadd.s32 s4, s19  }
0x9c: {  	s7 =	simm.s32 $0x0;
	s20 =	sshll.u32 s5, $0x1;
	s5 =	sadd.s32 s21, s3  }
0x9d: {  	[timem:s7], [sflag:s22] =	dma.local [hbm:s5], s20  }
0x9e: {  	_ =	swait.ge [sflag:s22], s20  }
0x9f: {  	s4 =	ssub.s32 $0x0, s20;
	[sflag:s22] =	ssyncset.done $0x0  }
0xa0: {  	[sflag:s22] =	ssyncadd.s32 s4;
	_ =	sdelay $0x1  }
0xa1: {  	s23 =	simm.s32 $0x1B8B  }
0xa2: {  	_ =	swait.ge [sflag:s23], $0x1  }
0xa3: {  	[sflag:s23] =	ssyncset.done $0x0  }
0xa4: {  	s25 =	simm.s32 $0x1B8E;
	s24 =	sld [smem:$0x3FFE];
	[sflag:s23] =	ssyncadd.s32 $0xFFFFFFFF  }
0xa5: {  	s26 =	simm.s32 $execute0_lowered;
	[smem:$0x3FD2] =	sst s25  }
0xa6: {  	s5 =	sshll.u32 s26, $0x1;
	_ =	strace $0x80000046;
	[dreg:$0x1] =	wrdreg $0xFFFFFFFF  }
0xa7: {  	s28 =	simm.s32 $_size_execute0_lowered;
	s3 =	sadd.s32 s3, s5;
	[dreg:$0x0] =	wrdreg $0x0  }
0xa8: {  	s5 =	sshll.u32 s28, $0x1;
	[dreg:$0x2] =	wrdreg s3  }
0xa9: {  	[dreg:$0x3] =	wrdreg s5  }
0xaa: {  	[dreg:$0x4] =	wrdreg $0xC0  }
0xab: {  	_ =	task [dreg:s7], $0x5FFFF  }
0xac: {  	[dreg:$0x1] =	wrdreg $0xFFFFFFFF  }
0xad: {  	[dreg:$0x0] =	wrdreg $0x60  }
0xae: {  	[dreg:$0x2] =	wrdreg s2  }
0xaf: {  	[dreg:$0x3] =	wrdreg s24  }
0xb0: {  	[dreg:$0x4] =	wrdreg $0x0  }
0xb1: {  	[dreg:$0x5] =	wrdreg $0x9  }
0xb2: {  	_ =	task.clear_ibuf [dreg:s7], $0x6FFFF;
	_ =	strace $0x90000046  }
0xb3: {  	s29 =	simm.s32 $0x9;
	_ =	strace $0x80000048  }
0xb4: {  	_ =	swait.ge [sflag:s29], $0x1  }
0xb5: {  	[sflag:s29] =	ssyncadd.s32 $0xFFFFFFFF  }
0xb6: {  	_ =	strace $0x90000048  }
0xb7: {  	_ =	sfence  }
0xb8: {  	s30 =	sld [smem:$0x0];
	_ =	sdelay $0x2  }
0xb9: {  	s31 =	sshll.u32 s1, $0xD;
	s1 =	sshrl.u32 s1, $0x2  }
0xba: {  	s3 =	sand.u32 $0x4000, s31;
	s1 =	sadd.s32 s1, s30  }
0xbb: {  	s0 =	sor.u32 s3, s0;
	s1 =	sshll.u32 s1, $0x11  }
0xbc: {  	s0 =	sor.u32 s1, s0  }
0xbd: {  	s0 =	sadd.s32 $0x8F2B, s0  }
0xbe: {  	[sflag:s0] =	ssyncadd.remote.s32 $0x1  }
0xbf: {  	_ =	sfence.sel $0xFFFF  }
0xc0: {  	[dreg:$0x0] =	wrdreg $0xFFFFFFFF;
	(pc) =	sbr.abs _section_cstart, $3  }
0xc1: {  	[dreg:$0x1] =	wrdreg $0xFFFFFFFF  }
0xc2: {  	_ =	task.clear_ibuf [dreg:s7], $0x2FFFF;
	_ =	strace $0x9FFFFFFF  }
0xc3: {  	(tm) =	ssettm $0x7FFFFFFF  }
tec
execute0_lowered:
.L_overlay_start_1:
0x0: {  	(tag) =	ssettag $0x1  }
0x1: {  	s3 =	rddreg [dreg:$0x0]  }
0x2: {  	s4 =	rddreg [dreg:$0x1]  }
0x3: {  	s5 =	rddreg [dreg:$0x2]  }
0x4: {  	s0 =	rddreg [dreg:$0x3];
	s2 =	simm.s32 $0x0;
	s1 =	srdreg.scid  }
0x5: {  	s12 =	simm.s32 $0x1400;
	s13 =	simm.s32 $0x14000;
	s14 =	simm.s32 $0x7800  }
0x6: {  	s17 =	simm.s32 $0xA000;
	[smem:$0x7FF] =	sst s2;
	s6 =	sand.u32 $0x1, s1  }
0x7: {  	s1 =	stileid.u32;
	_ =	strace $0x80000047;
	s7 =	sshll.u32 s6, $0x4  }
0x8: {  	s8 =	sshrl.u32 s1, $0x3;
	s6 =	ssub.s32 $0x2, s6;
	s11 =	smul.u32 $0x5000, s1  }
0x9: {  	s10 =	sshll.u32 s1, $0x7;
	s16 =	smul.u32 $0xA0, s1;
	s9 =	sor.u32 s1, s7  }
0xa: {  	s8 =	smul.u32 $0x50000, s8;
	s7 =	sadd.s32 s7, s4;
	s29 =	sshrl.u32 s6, $0x1  }
0xb: {  	s30 =	sand.u32 $0x380, s10;
	s10 =	simm.s32 $0x80;
	s9 =	smul.u32 $0x500, s9  }
0xc: {  	s6 =	ssub.s32 s6, s29;
	s31 =	sshrl.u32 s11, $0x2;
	s15 =	sadd.s32 $0xB800, s7  }
0xd: {  	s7 =	simm.s32 $0x5000;
	s11 =	simm.s32 $0x400;
	s8 =	sshrl.u32 s8, $0x2  }
0xe: {  	s6 =	smax.u32 s6, $0x1;
	s15 =	sadd.s32 s16, s15;
	s16 =	simm.s32 $0x100  }
0xf: {  	s8 =	sadd.s32 s8, s5;
	s3 =	sadd.s32 s3, s9;
	s5 =	sadd.s32 s31, s5  }
0x10: {  	v0 =	vimm.f32 $0.0e+00;
	s9 =	simm.s32 $0x2800;
	s4 =	sadd.s32 s30, s8;
	s8 =	simm.s32 $0x1  }
.LBB2_1:
0x11: {  	s18 =	simm.s32 $0x40;
	s19 =	simm.s32 $0x0  }
.LBB2_2:
0x12: {  	p0 =	sne.s32 s18, $0x9FC0;
	[tilespmem:s19+$0x2800] =	vst v0;
	s19 =	smov.u32 s18;
	s18 =	sadd.s32 $0x40, s18  }
.Ltmp0:
0x13: {  	(pc) =	sbr.rel @p0 .LBB2_2-.Ltmp0, $2  }
0x14: {  	_ =	sdelay $0x2  }
0x15: {  	s19 =	sshra.s32 s19, $0x2  }
0x16: {  	[tilespmem:s19+$0x2800] =	vst v0;
	s18 =	simm.s32 $0x0  }
0x17: {  	[tilespmem:s7], [sflag:$0x1] =	stream.linear.gather [hbm4b:s3+s18], $0x2800, $0x38;
	[tilespmem:$0xA280] =	vst v63  }
0x18: {  	_ =	swait.ge [sflag:s8], $0x2800  }
0x19: {  	[sflag:s8] =	ssyncset.done $0x0  }
0x1a: {  	[sflag:s8] =	ssyncadd.s32 $0xFFFFD800  }
.LBB2_4:
0x1b: {  	s19 =	sshra.s32 s18, $0x2  }
0x1c: {  	v1 =	vld [tilespmem:s19+$0x5000];
	_ =	sdelay $0x4  }
0x1d: {  	(xrf1) =	vunique.msk.u32 $0xffff, v1;
	_ =	sdelay $0xd  }
0x1e: {  	_, v2, vm0 =	vpop (xrf1);
	_ =	sdelay $0x3  }
0x1f: {  	v2 =	vcvt.s32.f32 v2;
	_ =	sdelay $0x1  }
0x20: {  	[tilespmem:v1+s9+$0x0] =	vst.idx.add.f32.msk vm0, v2  }
0x21: {  	v1 =	vld [tilespmem:s19+$0x5010];
	_ =	sdelay $0x4  }
0x22: {  	(xrf1) =	vunique.msk.u32 $0xffff, v1;
	_ =	sdelay $0xd  }
0x23: {  	_, v2, vm0 =	vpop (xrf1);
	_ =	sdelay $0x3  }
0x24: {  	v2 =	vcvt.s32.f32 v2;
	_ =	sdelay $0x1  }
0x25: {  	[tilespmem:v1+s9+$0x0] =	vst.idx.add.f32.msk vm0, v2  }
0x26: {  	v1 =	vld [tilespmem:s19+$0x5020];
	_ =	sdelay $0x4  }
0x27: {  	(xrf1) =	vunique.msk.u32 $0xffff, v1;
	_ =	sdelay $0xd  }
0x28: {  	_, v2, vm0 =	vpop (xrf1);
	_ =	sdelay $0x3  }
0x29: {  	v2 =	vcvt.s32.f32 v2;
	_ =	sdelay $0x1  }
0x2a: {  	[tilespmem:v1+s9+$0x0] =	vst.idx.add.f32.msk vm0, v2  }
0x2b: {  	v1 =	vld [tilespmem:s19+$0x5030];
	_ =	sdelay $0x4  }
0x2c: {  	(xrf1) =	vunique.msk.u32 $0xffff, v1;
	_ =	sdelay $0xd  }
0x2d: {  	_, v2, vm0 =	vpop (xrf1);
	_ =	sdelay $0x3  }
0x2e: {  	v2 =	vcvt.s32.f32 v2;
	_ =	sdelay $0x1  }
0x2f: {  	[tilespmem:v1+s9+$0x0] =	vst.idx.add.f32.msk vm0, v2  }
0x30: {  	v1 =	vld [tilespmem:s19+$0x5040];
	_ =	sdelay $0x4  }
0x31: {  	(xrf1) =	vunique.msk.u32 $0xffff, v1;
	_ =	sdelay $0xd  }
0x32: {  	_, v2, vm0 =	vpop (xrf1);
	_ =	sdelay $0x3  }
0x33: {  	v2 =	vcvt.s32.f32 v2;
	_ =	sdelay $0x1  }
0x34: {  	[tilespmem:v1+s9+$0x0] =	vst.idx.add.f32.msk vm0, v2  }
0x35: {  	v1 =	vld [tilespmem:s19+$0x5050];
	_ =	sdelay $0x4  }
0x36: {  	(xrf1) =	vunique.msk.u32 $0xffff, v1;
	_ =	sdelay $0xd  }
0x37: {  	_, v2, vm0 =	vpop (xrf1);
	_ =	sdelay $0x3  }
0x38: {  	v2 =	vcvt.s32.f32 v2;
	_ =	sdelay $0x1  }
0x39: {  	[tilespmem:v1+s9+$0x0] =	vst.idx.add.f32.msk vm0, v2  }
0x3a: {  	v1 =	vld [tilespmem:s19+$0x5060];
	_ =	sdelay $0x4  }
0x3b: {  	(xrf1) =	vunique.msk.u32 $0xffff, v1;
	_ =	sdelay $0xd  }
0x3c: {  	_, v2, vm0 =	vpop (xrf1);
	_ =	sdelay $0x3  }
0x3d: {  	v2 =	vcvt.s32.f32 v2;
	_ =	sdelay $0x1  }
0x3e: {  	[tilespmem:v1+s9+$0x0] =	vst.idx.add.f32.msk vm0, v2  }
0x3f: {  	v1 =	vld [tilespmem:s19+$0x5070];
	_ =	sdelay $0x4  }
0x40: {  	(xrf1) =	vunique.msk.u32 $0xffff, v1;
	_ =	sdelay $0xd  }
0x41: {  	_, v2, vm0 =	vpop (xrf1)  }
0x42: {  	p0 =	sne.s32 s18, $0x9E00  }
.Ltmp1:
0x43: {  	_ = 	snop;
	(pc) =	sbr.rel @p0 .LBB2_4-.Ltmp1, $3  }
0x44: {  	_ = 	snop  }
0x45: {  	v2 =	vcvt.s32.f32 v2;
	_ =	sdelay $0x1  }
0x46: {  	s18 =	sadd.s32 $0x200, s18;
	[tilespmem:v1+s9+$0x0] =	vst.idx.add.f32.msk vm0, v2  }
0x47: {  	[spmem:s4] =	stream.strided.scatter [tilespmem:s9], [sflag:$0x1], $0x2800, s11, s10, $0x38;
	[tilespmem:$0xA280] =	vst v63  }
0x48: {  	_ =	swait.ge [sflag:s8], $0x2800  }
0x49: {  	[sflag:s8] =	ssyncset.done $0x0  }
0x4a: {  	[sflag:s8] =	ssyncadd.s32 $0xFFFFD800  }
0x4b: {  	[bflag:$0x0] =	sbarrier.arrive $0xFFFF  }
0x4c: {  	[tilespmem:s14], [sflag:$0x1] =	stream.strided.gather [spmem:s5], $0x2800, s13, s12, $0x38;
	[tilespmem:$0xA280] =	vst v63  }
0x4d: {  	s18 =	simm.s32 $0x0;
	_ =	swait.ge [sflag:s8], $0x2800  }
0x4e: {  	s19 =	sand.u32 $0x70, s18;
	s18 =	sand.u32 $0x1C00, s18;
	[sflag:s8] =	ssyncset.done $0x0  }
0x4f: {  	s18 =	sor.u32 s19, s18;
	[sflag:s8] =	ssyncadd.s32 $0xFFFFD800  }
0x50: {  	v1 =	vld [tilespmem:s18+$0x7800];
	_ =	sdelay $0x1  }
0x51: {  	v2 =	vld [tilespmem:s18+$0x7880];
	_ =	sdelay $0x1  }
0x52: {  	v3 =	vld [tilespmem:s18+$0x7900]  }
0x53: {  	v1 =	vadd.f32 $0.0e+00, v1  }
0x54: {  	v4 =	vld [tilespmem:s18+$0x7980]  }
0x55: {  	v1 =	vadd.f32 v2, v1  }
0x56: {  	v2 =	vld [tilespmem:s18+$0x7A00]  }
0x57: {  	v1 =	vadd.f32 v3, v1  }
0x58: {  	v3 =	vld [tilespmem:s18+$0x7A80]  }
0x59: {  	v1 =	vadd.f32 v4, v1  }
0x5a: {  	v60 =	vld [tilespmem:s18+$0x7B00]  }
0x5b: {  	v1 =	vadd.f32 v2, v1  }
0x5c: {  	v2 =	vld [tilespmem:s18+$0x7B80]  }
0x5d: {  	v1 =	vadd.f32 v3, v1  }
0x5e: {  	v3 =	vld [tilespmem:s18+$0x8C00]  }
0x5f: {  	v1 =	vadd.f32 v60, v1  }
0x60: {  	v61 =	vld [tilespmem:s18+$0x8C80]  }
0x61: {  	v1 =	vadd.f32 v2, v1  }
0x62: {  	v2 =	vld [tilespmem:s18+$0x8D00]  }
0x63: {  	v1 =	vadd.f32 v3, v1  }
0x64: {  	v3 =	vld [tilespmem:s18+$0x8D80]  }
0x65: {  	v1 =	vadd.f32 v61, v1  }
0x66: {  	v62 =	vld [tilespmem:s18+$0x8E00]  }
0x67: {  	v1 =	vadd.f32 v2, v1  }
0x68: {  	v2 =	vld [tilespmem:s18+$0x8E80]  }
0x69: {  	v1 =	vadd.f32 v3, v1  }
0x6a: {  	v3 =	vld [tilespmem:s18+$0x8F00]  }
0x6b: {  	v1 =	vadd.f32 v62, v1  }
0x6c: {  	v63 =	vld [tilespmem:s18+$0x8F80]  }
0x6d: {  	v1 =	vadd.f32 v2, v1;
	_ =	sdelay $0x1  }
0x6e: {  	v1 =	vadd.f32 v3, v1  }
0x6f: {  	s20 =	simm.s32 $0x10  }
0x70: {  	s21 =	sand.u32 $0x70, s20;
	s19 =	simm.s32 $0x80;
	v1 =	vadd.f32 v63, v1  }
0x71: {  	s20 =	simm.s32 $0x20;
	s22 =	sand.u32 $0x1C00, s19;
	s18 =	simm.s32 $0xA000  }
.LBB2_6:
0x72: {  	p0 =	sne.s32 s20, $0x270;
	s21 =	sor.u32 s21, s22;
	[tilespmem:s18+$0x0] =	vst v1  }
0x73: {  	v1 =	vld [tilespmem:s21+$0x7800];
	_ =	sdelay $0x1  }
0x74: {  	v2 =	vld [tilespmem:s21+$0x7880];
	_ =	sdelay $0x1  }
0x75: {  	v3 =	vld [tilespmem:s21+$0x7900]  }
0x76: {  	v1 =	vadd.f32 $0.0e+00, v1  }
0x77: {  	v4 =	vld [tilespmem:s21+$0x7980]  }
0x78: {  	v1 =	vadd.f32 v2, v1  }
0x79: {  	v2 =	vld [tilespmem:s21+$0x7A00]  }
0x7a: {  	v1 =	vadd.f32 v3, v1  }
0x7b: {  	v3 =	vld [tilespmem:s21+$0x7A80]  }
0x7c: {  	v1 =	vadd.f32 v4, v1  }
0x7d: {  	v4 =	vld [tilespmem:s21+$0x7B00]  }
0x7e: {  	v1 =	vadd.f32 v2, v1  }
0x7f: {  	v2 =	vld [tilespmem:s21+$0x7B80]  }
0x80: {  	v1 =	vadd.f32 v3, v1  }
0x81: {  	v3 =	vld [tilespmem:s21+$0x8C00]  }
0x82: {  	v1 =	vadd.f32 v4, v1  }
0x83: {  	v4 =	vld [tilespmem:s21+$0x8C80]  }
0x84: {  	v1 =	vadd.f32 v2, v1  }
0x85: {  	v2 =	vld [tilespmem:s21+$0x8D00]  }
0x86: {  	v1 =	vadd.f32 v3, v1  }
0x87: {  	v3 =	vld [tilespmem:s21+$0x8D80]  }
0x88: {  	v1 =	vadd.f32 v4, v1  }
0x89: {  	v4 =	vld [tilespmem:s21+$0x8E00]  }
0x8a: {  	v1 =	vadd.f32 v2, v1  }
0x8b: {  	v2 =	vld [tilespmem:s21+$0x8E80]  }
0x8c: {  	v1 =	vadd.f32 v3, v1  }
0x8d: {  	v3 =	vld [tilespmem:s21+$0x8F00]  }
0x8e: {  	v1 =	vadd.f32 v4, v1  }
0x8f: {  	v4 =	vld [tilespmem:s21+$0x8F80]  }
0x90: {  	v1 =	vadd.f32 v2, v1  }
.Ltmp2:
0x91: {  	(pc) =	sbr.rel @p0 .LBB2_6-.Ltmp2, $3  }
0x92: {  	v1 =	vadd.f32 v3, v1;
	_ =	sdelay $0x1  }
0x93: {  	s19 =	sadd.s32 $0x80, s19;
	s18 =	sadd.s32 $0x10, s18;
	v1 =	vadd.f32 v4, v1  }
0x94: {  	s22 =	sand.u32 $0x1C00, s19;
	s21 =	sand.u32 $0x70, s20;
	s20 =	sadd.s32 $0x10, s20  }
0x95: {  	s19 =	sor.u32 s21, s22;
	[tilespmem:s18+$0x0] =	vst v1  }
0x96: {  	v1 =	vld [tilespmem:s19+$0x7800];
	_ =	sdelay $0x1  }
0x97: {  	v2 =	vld [tilespmem:s19+$0x7880];
	_ =	sdelay $0x1  }
0x98: {  	v3 =	vld [tilespmem:s19+$0x7900]  }
0x99: {  	v1 =	vadd.f32 $0.0e+00, v1  }
0x9a: {  	v4 =	vld [tilespmem:s19+$0x7980]  }
0x9b: {  	v1 =	vadd.f32 v2, v1  }
0x9c: {  	v2 =	vld [tilespmem:s19+$0x7A00]  }
0x9d: {  	v1 =	vadd.f32 v3, v1  }
0x9e: {  	v3 =	vld [tilespmem:s19+$0x7A80]  }
0x9f: {  	v1 =	vadd.f32 v4, v1  }
0xa0: {  	v60 =	vld [tilespmem:s19+$0x7B00]  }
0xa1: {  	v1 =	vadd.f32 v2, v1  }
0xa2: {  	v2 =	vld [tilespmem:s19+$0x7B80]  }
0xa3: {  	v1 =	vadd.f32 v3, v1  }
0xa4: {  	v3 =	vld [tilespmem:s19+$0x8C00]  }
0xa5: {  	v1 =	vadd.f32 v60, v1  }
0xa6: {  	v61 =	vld [tilespmem:s19+$0x8C80]  }
0xa7: {  	v1 =	vadd.f32 v2, v1  }
0xa8: {  	v2 =	vld [tilespmem:s19+$0x8D00]  }
0xa9: {  	v1 =	vadd.f32 v3, v1  }
0xaa: {  	v3 =	vld [tilespmem:s19+$0x8D80]  }
0xab: {  	v1 =	vadd.f32 v61, v1  }
0xac: {  	v62 =	vld [tilespmem:s19+$0x8E00]  }
0xad: {  	v1 =	vadd.f32 v2, v1  }
0xae: {  	v2 =	vld [tilespmem:s19+$0x8E80]  }
0xaf: {  	v1 =	vadd.f32 v3, v1  }
0xb0: {  	v3 =	vld [tilespmem:s19+$0x8F00]  }
0xb1: {  	v1 =	vadd.f32 v62, v1  }
0xb2: {  	v63 =	vld [tilespmem:s19+$0x8F80]  }
0xb3: {  	v1 =	vadd.f32 v2, v1;
	_ =	sdelay $0x1  }
0xb4: {  	v1 =	vadd.f32 v3, v1;
	_ =	sdelay $0x1  }
0xb5: {  	s2 =	sadd.s32 $0x1, s2;
	v1 =	vadd.f32 v63, v1  }
0xb6: {  	s31 =	sadd.s32 $0x10, s18;
	p0 =	sne.s32 s2, s6  }
.Ltmp3:
0xb7: {  	[tilespmem:s31+$0x0] =	vst v1;
	(pc) =	sbr.rel @p0 .LBB2_1-.Ltmp3, $4  }
0xb8: {  	[hbm4b:s15+s10] =	stream.strided.scatter [tilespmem:s17], [sflag:$0x1], $0x280, s16, s10, $0x38;
	[tilespmem:$0xA280] =	vst v63  }
0xb9: {  	_ =	swait.ge [sflag:s8], $0x280  }
0xba: {  	[sflag:s8] =	ssyncset.done $0x0  }
0xbb: {  	[sflag:s8] =	ssyncadd.s32 $0xFFFFFD80  }
0xbc: {  	_ =	sfence.sel $0x180000  }
0xbd: {  	[bflag:$0x0] =	sbarrier.arrive $0xFFFF  }
0xbe: {  	p0 =	sne.s32 s1, $0x0;
	_ =	strace $0x90000047  }
0xbf: {  	s0 =	sadd.s32 @!p0 $0x100000, s0;
	[bflag:$0x2] =	sbarrier.arrive $0xFFFF  }
0xc0: {  	[sflag:s0] =	ssyncadd.tile.s32 @!p0 $0x1;
	_ =	shalt  }
.Lfunc_end2:
_tile_overlayer_lowered:
.L_overlay_start_2:
0xc1: {  	(tag) =	ssettag $0x2  }
0xc2: {  	s0 =	rddreg [dreg:$0x0];
	s2 =	stileid.u32  }
0xc3: {  	s1 =	rddreg [dreg:$0x1];
	p0 =	sne.s32 s2, $0x0  }
0xc4: {  	s3 =	rddreg [dreg:$0x2];
	[bflag:$0x3] =	sbarrier.arrive $0xFFFF;
	s2 =	simm.s32 @!p0 $0x1C01  }
0xc5: {  	[timem:s3], [sflag:s2] =	dma.local @!p0 [hbm:s0], s1  }
0xc6: {  	s0 =	simm.s32 @!p0 $0x1  }
0xc7: {  	_ =	swait.ge @!p0 [sflag:s0], s1  }
0xc8: {  	s1 =	ssub.s32 @!p0 $0x0, s1;
	[sflag:s0] =	ssyncset.done @!p0 $0x0  }
0xc9: {  	[sflag:s0] =	ssyncadd.s32 @!p0 s1  }
0xca: {  	[bflag:$0x3] =	sbarrier.arrive $0xFFFF  }
0xcb: {  	_ =	shalt  }

// kernel: kernel.9.cloned.1.call-start
scs
__scs_entry_jumppad:
0x0: {  	(pc) =	sbr.rel $0x88, $3  }
0x1: {  	(tag) =	ssettag $0x0;
	lr =	simm.s32 $0x1  }
0x2: {  	[smem:$0x3F9C] =	sst lr;
	_ =	strace $0xD0000000  }
0x3: {  	_ = 	snop  }
0x4: {  	_ = 	snop  }
0x5: {  	_ = 	snop  }
0x6: {  	_ = 	snop  }
0x7: {  	_ = 	snop  }
__scs_overlays_trampoline_lowered:
0x8: {  	[smem:$0x3FAB] =	sst s0  }
0x9: {  	[smem:$0x3FAC] =	sst s1  }
0xa: {  	[smem:$0x3FAD] =	sst s2  }
0xb: {  	[smem:$0x3FAE] =	sst s3  }
0xc: {  	[smem:$0x3FAF] =	sst s4  }
0xd: {  	[smem:$0x3FB0] =	sst s5  }
0xe: {  	[smem:$0x3FB1] =	sst s6  }
0xf: {  	[smem:$0x3FB2] =	sst s7  }
0x10: {  	[smem:$0x3FB3] =	sst s8  }
0x11: {  	[smem:$0x3FB4] =	sst s9;
	s0 =	simm.s32 @!p0 $0x0  }
0x12: {  	s1 =	sld [smem:$0x3F9A];
	s0 =	simm.s32 @p0 $0x1  }
0x13: {  	[smem:$0x3FB5] =	sst s0;
	s0 =	simm.s32 @!p1 $0x0  }
0x14: {  	s2 =	sld [smem:$0x3F99];
	s0 =	simm.s32 @p1 $0x1  }
0x15: {  	[smem:$0x3FB6] =	sst s0;
	s0 =	simm.s32 @!p2 $0x0  }
0x16: {  	s3 =	sld [smem:$0x3FDB];
	s0 =	simm.s32 @p2 $0x1  }
0x17: {  	s4 =	simm.s32 $0x1BF5;
	[smem:$0x3FB8] =	sst s0  }
0x18: {  	s0 =	sld [smem:$0x3F9B];
	_ =	swait.ge [sflag:s4], $0x0  }
0x19: {  	s7 =	sld [smem:$0x3F9C]  }
0x1a: {  	s8 =	sadd.s32 $0xFFFFE003, lr  }
0x1b: {  	s9 =	sadd.s32 $0xFFFFFEF7, lr;
	s5 =	simm.s32 $0xFFFFFFFF;
	p2 =	slt.u32 s8, $0xFFFFF086  }
0x1c: {  	p1 =	slt.u32 s9, $0xF7A;
	s5 =	simm.s32 @!p2 $0x0  }
0x1d: {  	s5 =	simm.s32 @p1 $0x1;
	p0 =	seq.s32 s7, s2  }
0x1e: {  	s7 =	smul.u32 @!p0 $0xF7A, s2;
	p2 =	seq.s32 @!p0 s5, $0x0  }
0x1f: {  	s9 =	smul.u32 $0xF7A, s1;
	s8 =	simm.s32 @!p0 $0x1BF5;
	p2 =	por !p2, p0  }
0x20: {  	[sflag:s8] =	ssyncset.s32 @!p0 $0xFFFFF086;
	s6 =	sadd.s32 @!p0 s3, s7;
	s7 =	simm.s32 @!p0 $0x108  }
0x21: {  	s3 =	sadd.s32 s3, s9;
	s6 =	sadd.s32 @!p0 $0x88, s6;
	s7 =	simm.s32 @p2 $0x1082  }
0x22: {  	[simem:s7], [sflag:s8] =	dma.local @!p0 [hbm:s6], $0xF7A  }
0x23: {  	s9 =	sor.u32 $0xD0000000, s2;
	s6 =	simm.s32 $0x108;
	_ =	swait.ge @!p0 [sflag:s8], $0x0  }
0x24: {  	s3 =	sadd.s32 $0x88, s3;
	s6 =	simm.s32 @!p1 $0x1082;
	[sflag:s4] =	ssyncset.s32 $0xFFFFF086  }
0x25: {  	[simem:s6], [sflag:s4] =	dma.local [hbm:s3], $0xF7A  }
0x26: {  	[smem:$0x3F9C] =	sst s1;
	(tag) =	ssettag s2;
	_ =	strace s9  }
0x27: {  	s1 =	sld [smem:$0x3FAC]  }
0x28: {  	s2 =	sld [smem:$0x3FAD]  }
0x29: {  	s4 =	sld [smem:$0x3FAF]  }
0x2a: {  	p0 =	seq.s32 s5, $0x0;
	s5 =	sld [smem:$0x3FB0]  }
0x2b: {  	s6 =	sld [smem:$0x3FB1]  }
0x2c: {  	s7 =	sld [smem:$0x3FB2]  }
0x2d: {  	s3 =	simm.s32 $0x108;
	s8 =	sld [smem:$0x3FB3]  }
0x2e: {  	s3 =	simm.s32 @!p0 $0x1082;
	s9 =	sld [smem:$0x3FB4]  }
0x2f: {  	lr =	sadd.s32 s0, s3;
	s0 =	sld [smem:$0x3FAB]  }
0x30: {  	s3 =	sld [smem:$0x3FAE]  }
0x31: {  	[smem:$0x3FB7] =	sst s10  }
0x32: {  	s10 =	sld [smem:$0x3FB5];
	_ =	sdelay $0x3  }
0x33: {  	p0 =	seq.s32 s10, $0x1;
	s10 =	sld [smem:$0x3FB7];
	_ =	sdelay $0x3  }
0x34: {  	[smem:$0x3FB7] =	sst s10  }
0x35: {  	s10 =	sld [smem:$0x3FB6];
	_ =	sdelay $0x3  }
0x36: {  	p1 =	seq.s32 s10, $0x1;
	s10 =	sld [smem:$0x3FB7];
	_ =	sdelay $0x3  }
0x37: {  	[smem:$0x3FB7] =	sst s10  }
0x38: {  	s10 =	sld [smem:$0x3FB8]  }
0x39: {  	_ = 	snop;
	(pc) =	sbr.ind lr, $3  }
0x3a: {  	_ = 	snop  }
0x3b: {  	_ = 	snop  }
0x3c: {  	p2 =	seq.s32 s10, $0x1;
	s10 =	sld [smem:$0x3FB7]  }
0x3d: {  	_ =	shalt  }
0x3e: {  	_ =	shalt  }
0x3f: {  	_ =	shalt  }
0x40: {  	_ =	shalt  }
0x41: {  	_ =	shalt  }
0x42: {  	_ =	shalt  }
0x43: {  	_ =	shalt  }
0x44: {  	_ =	shalt  }
0x45: {  	_ =	shalt  }
0x46: {  	_ =	shalt  }
0x47: {  	_ =	shalt  }
0x48: {  	_ =	shalt  }
0x49: {  	_ =	shalt  }
0x4a: {  	_ =	shalt  }
0x4b: {  	_ =	shalt  }
0x4c: {  	_ =	shalt  }
0x4d: {  	_ =	shalt  }
0x4e: {  	_ =	shalt  }
0x4f: {  	_ =	shalt  }
0x50: {  	_ =	shalt  }
0x51: {  	_ =	shalt  }
0x52: {  	_ =	shalt  }
0x53: {  	_ =	shalt  }
0x54: {  	_ =	shalt  }
0x55: {  	_ =	shalt  }
0x56: {  	_ =	shalt  }
0x57: {  	_ =	shalt  }
0x58: {  	_ =	shalt  }
0x59: {  	_ =	shalt  }
0x5a: {  	_ =	shalt  }
0x5b: {  	_ =	shalt  }
0x5c: {  	_ =	shalt  }
0x5d: {  	_ =	shalt  }
0x5e: {  	_ =	shalt  }
0x5f: {  	_ =	shalt  }
0x60: {  	_ =	shalt  }
0x61: {  	_ =	shalt  }
0x62: {  	_ =	shalt  }
0x63: {  	_ =	shalt  }
0x64: {  	_ =	shalt  }
0x65: {  	_ =	shalt  }
0x66: {  	_ =	shalt  }
0x67: {  	_ =	shalt  }
0x68: {  	_ =	shalt  }
0x69: {  	_ =	shalt  }
0x6a: {  	_ =	shalt  }
0x6b: {  	_ =	shalt  }
0x6c: {  	_ =	shalt  }
0x6d: {  	_ =	shalt  }
0x6e: {  	_ =	shalt  }
0x6f: {  	_ =	shalt  }
0x70: {  	_ =	shalt  }
0x71: {  	_ =	shalt  }
0x72: {  	_ =	shalt  }
0x73: {  	_ =	shalt  }
0x74: {  	_ =	shalt  }
0x75: {  	_ =	shalt  }
0x76: {  	_ =	shalt  }
0x77: {  	_ =	shalt  }
0x78: {  	_ =	shalt  }
0x79: {  	_ =	shalt  }
0x7a: {  	_ =	shalt  }
0x7b: {  	_ =	shalt  }
0x7c: {  	_ =	shalt  }
0x7d: {  	_ =	shalt  }
0x7e: {  	_ =	shalt  }
0x7f: {  	_ =	shalt  }
0x80: {  	_ =	shalt  }
0x81: {  	_ =	shalt  }
0x82: {  	_ =	shalt  }
0x83: {  	_ =	shalt  }
0x84: {  	_ =	shalt  }
0x85: {  	_ =	shalt  }
0x86: {  	_ =	shalt  }
0x87: {  	_ =	shalt  }
.Lfunc_end0:
.L_simem_size_0:
called_computation.1_lowered:
.L_overlay_start_0:
0x88: {  	s2 =	sld [smem:$0x3FD9]  }
0x89: {  	s3 =	sld [smem:$0x3FFE];
	_ =	sdelay $0x1  }
0x8a: {  	s1 =	srdreg.scid  }
0x8b: {  	s0 =	sand.u32 $0x1, s1  }
0x8c: {  	s17 =	sshll.u32 s0, $0xA;
	s2 =	sadd.s32 s3, s2  }
0x8d: {  	s2 =	sadd.s32 s2, s17  }
0x8e: {  	[smem:$0x3FC3] =	sst s2  }
0x8f: {  	_ = 	snop  }
0x90: {  	s2 =	sld [smem:$0x3FD0];
	(tm) =	ssettm $0x1  }
0x91: {  	s18 =	sld [smem:$0x3FFB];
	_ =	sdelay $0x3  }
0x92: {  	_ =	strace s18  }
0x93: {  	s3 =	sld [smem:$0x3FFC];
	_ =	sdelay $0x3  }
0x94: {  	_ =	strace s3  }
0x95: {  	s3 =	sld [smem:$0x3FFD];
	_ =	sdelay $0x3  }
0x96: {  	_ =	strace s3  }
0x97: {  	_ =	strace $0x8FFFFFFF  }
0x98: {  	s19 =	sld [smem:$0x3FDB];
	_ =	sdelay $0x1  }
0x99: {  	s4 =	simm.s32 $_scs_section_size  }
0x9a: {  	s5 =	simm.s32 $_size__tile_overlayer_lowered;
	s6 =	simm.s32 $_tile_overlayer_lowered  }
0x9b: {  	s22 =	simm.s32 $0x1BFF;
	s21 =	sshll.u32 s6, $0x1;
	s3 =	sadd.s32 s4, s19  }
0x9c: {  	s7 =	simm.s32 $0x0;
	s20 =	sshll.u32 s5, $0x1;
	s5 =	sadd.s32 s21, s3  }
0x9d: {  	[timem:s7], [sflag:s22] =	dma.local [hbm:s5], s20  }
0x9e: {  	_ =	swait.ge [sflag:s22], s20  }
0x9f: {  	s4 =	ssub.s32 $0x0, s20;
	[sflag:s22] =	ssyncset.done $0x0  }
0xa0: {  	[sflag:s22] =	ssyncadd.s32 s4;
	_ =	sdelay $0x1  }
0xa1: {  	s23 =	simm.s32 $0x1B8B  }
0xa2: {  	_ =	swait.ge [sflag:s23], $0x1  }
0xa3: {  	[sflag:s23] =	ssyncset.done $0x0  }
0xa4: {  	s25 =	simm.s32 $0x1B8E;
	s24 =	sld [smem:$0x3FFE];
	[sflag:s23] =	ssyncadd.s32 $0xFFFFFFFF  }
0xa5: {  	s26 =	simm.s32 $execute0_lowered;
	[smem:$0x3FD2] =	sst s25  }
0xa6: {  	s5 =	sshll.u32 s26, $0x1;
	_ =	strace $0x80000049;
	[dreg:$0x1] =	wrdreg $0xFFFFFFFF  }
0xa7: {  	s28 =	simm.s32 $_size_execute0_lowered;
	s3 =	sadd.s32 s3, s5;
	[dreg:$0x0] =	wrdreg $0x0  }
0xa8: {  	s5 =	sshll.u32 s28, $0x1;
	[dreg:$0x2] =	wrdreg s3  }
0xa9: {  	[dreg:$0x3] =	wrdreg s5  }
0xaa: {  	[dreg:$0x4] =	wrdreg $0xC0  }
0xab: {  	_ =	task [dreg:s7], $0x5FFFF  }
0xac: {  	[dreg:$0x1] =	wrdreg $0xFFFFFFFF  }
0xad: {  	[dreg:$0x0] =	wrdreg $0x60  }
0xae: {  	[dreg:$0x2] =	wrdreg s24  }
0xaf: {  	[dreg:$0x3] =	wrdreg s2  }
0xb0: {  	[dreg:$0x4] =	wrdreg $0x0  }
0xb1: {  	[dreg:$0x5] =	wrdreg $0x9  }
0xb2: {  	_ =	task.clear_ibuf [dreg:s7], $0x6FFFF;
	_ =	strace $0x90000049  }
0xb3: {  	s29 =	simm.s32 $0x9;
	_ =	strace $0x8000004B  }
0xb4: {  	_ =	swait.ge [sflag:s29], $0x1  }
0xb5: {  	[sflag:s29] =	ssyncadd.s32 $0xFFFFFFFF  }
0xb6: {  	_ =	strace $0x9000004B  }
0xb7: {  	_ =	sfence  }
0xb8: {  	s30 =	sld [smem:$0x0];
	_ =	sdelay $0x2  }
0xb9: {  	s31 =	sshll.u32 s1, $0xD;
	s1 =	sshrl.u32 s1, $0x2  }
0xba: {  	s3 =	sand.u32 $0x4000, s31;
	s1 =	sadd.s32 s1, s30  }
0xbb: {  	s0 =	sor.u32 s3, s0;
	s1 =	sshll.u32 s1, $0x11  }
0xbc: {  	s0 =	sor.u32 s1, s0  }
0xbd: {  	s0 =	sadd.s32 $0x8F2B, s0  }
0xbe: {  	[sflag:s0] =	ssyncadd.remote.s32 $0x1  }
0xbf: {  	_ =	sfence.sel $0xFFFF  }
0xc0: {  	[dreg:$0x0] =	wrdreg $0xFFFFFFFF;
	(pc) =	sbr.abs _section_cstart, $3  }
0xc1: {  	[dreg:$0x1] =	wrdreg $0xFFFFFFFF  }
0xc2: {  	_ =	task.clear_ibuf [dreg:s7], $0x2FFFF;
	_ =	strace $0x9FFFFFFF  }
0xc3: {  	(tm) =	ssettm $0x7FFFFFFF  }
tec
execute0_lowered:
.L_overlay_start_1:
0x0: {  	(tag) =	ssettag $0x1  }
0x1: {  	s5 =	rddreg [dreg:$0x0]  }
0x2: {  	s10 =	rddreg [dreg:$0x1]  }
0x3: {  	s1 =	rddreg [dreg:$0x2]  }
0x4: {  	s2 =	simm.s32 $0x0;
	s3 =	srdreg.scid;
	s16 =	simm.s32 $0x16800  }
0x5: {  	s17 =	simm.s32 $0x3;
	s18 =	simm.s32 $0x14000;
	s19 =	simm.s32 $0x15400  }
0x6: {  	s20 =	simm.s32 $0x80;
	s21 =	simm.s32 $0x14080;
	s22 =	simm.s32 $0x1A800  }
0x7: {  	s23 =	simm.s32 $0x1;
	s28 =	simm.s32 $0x16780;
	s29 =	simm.s32 $0x0  }
0x8: {  	[smem:$0x7FF] =	sst s2;
	s9 =	sadd.s32 $0x1800, s5;
	s6 =	sand.u32 $0x1, s3  }
0x9: {  	s4 =	sadd.s32 $0xB800, s5;
	s3 =	stileid.u32;
	s7 =	smul.u32 $0x28000, s6  }
0xa: {  	_ =	strace $0x8000004A;
	s11 =	smul.u32 $0x50000, s3;
	s12 =	sshll.u32 s6, $0x4  }
0xb: {  	s8 =	ssub.s32 $0x2, s6;
	s24 =	smul.u32 $0x2800, s3;
	s12 =	sor.u32 s3, s12  }
0xc: {  	p0 =	seq.s32 s6, $0x1;
	s13 =	sshrl.u32 s8, $0x1;
	s25 =	smul.u32 $0x2800, s12  }
0xd: {  	s14 =	sadd.s32 s7, s5;
	s26 =	sshrl.u32 s11, $0x2;
	s30 =	smul.u32 $0x500, s12  }
0xe: {  	s13 =	ssub.s32 s8, s13;
	s6 =	sadd.s32 s4, s24;
	s5 =	sadd.s32 s26, s1  }
0xf: {  	s26 =	simm.s32 $0x16700;
	s31 =	sshrl.u32 s25, $0x3;
	s7 =	sadd.s32 s9, s30  }
0x10: {  	s8 =	sadd.s32 s10, s30;
	s25 =	sadd.s32 $0x33800, s14;
	s12 =	sadd.s32 $0x4000, s5  }
0x11: {  	s14 =	sadd.s32 $0xC000, s5;
	s15 =	sadd.s32 $0x10000, s5;
	s11 =	sadd.s32 $0x280, s31  }
0x12: {  	s24 =	sadd.s32 s24, s25;
	s25 =	simm.s32 $0x2;
	s9 =	sadd.s32 s9, s11  }
0x13: {  	v0 =	vimm.f32 $0.0e+00;
	s10 =	sadd.s32 s10, s11;
	s11 =	smax.u32 s13, $0x1;
	s13 =	sadd.s32 $0x8000, s5  }
.LBB2_1:
.Ltmp0:
0x14: {  	(pc) =	sbr.rel @!p0 .LBB2_2-.Ltmp0, $1  }
0x15: {  	_ =	sdelay $0x3  }
0x16: {  	s30 =	sshra.s32 s2, $0x2;
	s31 =	sadd.s32 $0x200, s2  }
.LBB2_4:
0x17: {  	p1 =	seq.s32 s31, $0xFE00;
	[tilespmem:s30+$0x16870] =	vst v0  }
0x18: {  	[tilespmem:s30+$0x16800] =	vst v0  }
0x19: {  	[tilespmem:s30+$0x16810] =	vst v0  }
.Ltmp1:
0x1a: {  	[tilespmem:s30+$0x16820] =	vst v0;
	(pc) =	sbr.rel @!p1 .LBB2_4-.Ltmp1, $4  }
0x1b: {  	[tilespmem:s30+$0x16830] =	vst v0  }
0x1c: {  	[tilespmem:s30+$0x16840] =	vst v0  }
0x1d: {  	[tilespmem:s30+$0x16850] =	vst v0  }
0x1e: {  	[tilespmem:s30+$0x16860] =	vst v0;
	s30 =	sshra.s32 s31, $0x2;
	s31 =	sadd.s32 $0x200, s31  }
0x1f: {  	[tilespmem:s30+$0x16870] =	vst v0  }
0x20: {  	[tilespmem:s30+$0x16800] =	vst v0  }
0x21: {  	[tilespmem:s30+$0x16810] =	vst v0  }
0x22: {  	[tilespmem:s30+$0x16820] =	vst v0  }
0x23: {  	[tilespmem:s30+$0x16830] =	vst v0  }
0x24: {  	[tilespmem:s30+$0x16840] =	vst v0  }
0x25: {  	[tilespmem:s30+$0x16850] =	vst v0  }
0x26: {  	[tilespmem:s30+$0x16860] =	vst v0  }
0x27: {  	[spmem:s5] =	stream.linear.scatter [tilespmem:s16], [sflag:$0x3], $0x4000, $0x38;
	[tilespmem:$0x1E800] =	vst v63  }
0x28: {  	_ =	swait.ge [sflag:s17], $0x4000  }
0x29: {  	[sflag:s17] =	ssyncset.done $0x0  }
0x2a: {  	[sflag:s17] =	ssyncadd.s32 $0xFFFFC000  }
0x2b: {  	[spmem:s12] =	stream.linear.scatter [tilespmem:s16], [sflag:$0x3], $0x4000, $0x38;
	[tilespmem:$0x1E800] =	vst v63  }
0x2c: {  	_ =	swait.ge [sflag:s17], $0x4000  }
0x2d: {  	[sflag:s17] =	ssyncset.done $0x0  }
0x2e: {  	[sflag:s17] =	ssyncadd.s32 $0xFFFFC000  }
0x2f: {  	[spmem:s13] =	stream.linear.scatter [tilespmem:s16], [sflag:$0x3], $0x4000, $0x38;
	[tilespmem:$0x1E800] =	vst v63  }
0x30: {  	_ =	swait.ge [sflag:s17], $0x4000  }
0x31: {  	[sflag:s17] =	ssyncset.done $0x0  }
0x32: {  	[sflag:s17] =	ssyncadd.s32 $0xFFFFC000  }
0x33: {  	[spmem:s14] =	stream.linear.scatter [tilespmem:s16], [sflag:$0x3], $0x4000, $0x38;
	[tilespmem:$0x1E800] =	vst v63  }
0x34: {  	_ =	swait.ge [sflag:s17], $0x4000  }
0x35: {  	[sflag:s17] =	ssyncset.done $0x0  }
.Ltmp2:
0x36: {  	[sflag:s17] =	ssyncadd.s32 $0xFFFFC000;
	(pc) =	sbr.rel .LBB2_6-.Ltmp2, $4  }
0x37: {  	[spmem:s15] =	stream.linear.scatter [tilespmem:s16], [sflag:$0x3], $0x4000, $0x38;
	[tilespmem:$0x1E800] =	vst v63  }
0x38: {  	_ =	swait.ge [sflag:s17], $0x4000  }
0x39: {  	[sflag:s17] =	ssyncset.done $0x0  }
0x3a: {  	[sflag:s17] =	ssyncadd.s32 $0xFFFFC000  }
.LBB2_2:
0x3b: {  	s30 =	sshll.u32 s3, $0x6  }
0x3c: {  	s31 =	sshrl.u32 s5, $0x3;
	s30 =	sor.u32 $0x1C03, s30  }
0x3d: {  	[spmem:s31], [sflag:s30] =	dma.local [hbm:s6], $0x2800  }
0x3e: {  	_ =	swait.ge [sflag:s17], $0x2800  }
0x3f: {  	[sflag:s17] =	ssyncset.done $0x0  }
0x40: {  	[sflag:s17] =	ssyncadd.s32 $0xFFFFD800  }
.LBB2_6:
0x41: {  	[bflag:$0x0] =	sbarrier.arrive $0xFFFF;
	s30 =	simm.s32 $0x0  }
0x42: {  	[tilespmem:s18], [sflag:$0x3] =	stream.linear.gather [hbm4b:s7+s30], $0x1400, $0x38;
	[tilespmem:$0x1E800] =	vst v63  }
0x43: {  	_ =	swait.ge [sflag:s17], $0x1400  }
0x44: {  	[sflag:s17] =	ssyncset.done $0x0  }
0x45: {  	[sflag:s17] =	ssyncadd.s32 $0xFFFFEC00  }
0x46: {  	[tilespmem:s19], [sflag:$0x3] =	stream.linear.gather [hbm4b:s8+s30], $0x1400, $0x38;
	[tilespmem:$0x1E800] =	vst v63  }
0x47: {  	_ =	swait.ge [sflag:s17], $0x1400  }
0x48: {  	[sflag:s17] =	ssyncset.done $0x0  }
0x49: {  	[sflag:s17] =	ssyncadd.s32 $0xFFFFEC00  }
0x4a: {  	[tilespmem:s16], [sflag:$0x1] =	stream.indirect.gather [hbm4b:s4+s20], $0x80, s18, s20, $0xb8;
	[tilespmem:$0x1E800] =	vst v63  }
0x4b: {  	_ = 	snop  }
0x4c: {  	[tilespmem:s22], [sflag:$0x2] =	stream.indirect.gather [hbm4b:s4+s20], $0x80, s21, s20, $0xb8;
	[tilespmem:$0x1E800] =	vst v63  }
0x4d: {  	_ =	swait.ge [sflag:s23], $0x4000  }
0x4e: {  	[sflag:s23] =	ssyncset.done $0x0  }
0x4f: {  	s30 =	simm.s32 $0x15400;
	[sflag:s23] =	ssyncadd.s32 $0xFFFFC000  }
0x50: {  	[spmem:s1] =	stream.indirect.scatter.add.f32 [tilespmem:s16], [sflag:$0x3], $0x80, s30, s20, $0xb8;
	[tilespmem:$0x1E800] =	vst v63  }
0x51: {  	_ =	swait.ge [sflag:s17], $0x4000  }
0x52: {  	[sflag:s17] =	ssyncset.done $0x0  }
0x53: {  	s30 =	simm.s32 $0x14100;
	[sflag:s17] =	ssyncadd.s32 $0xFFFFC000  }
0x54: {  	[tilespmem:s16], [sflag:$0x1] =	stream.indirect.gather [hbm4b:s4+s20], $0x80, s30, s20, $0xb8;
	[tilespmem:$0x1E800] =	vst v63  }
0x55: {  	_ =	swait.ge [sflag:s25], $0x4000  }
0x56: {  	[sflag:s25] =	ssyncset.done $0x0  }
0x57: {  	s30 =	simm.s32 $0x15480;
	[sflag:s25] =	ssyncadd.s32 $0xFFFFC000  }
0x58: {  	[spmem:s1] =	stream.indirect.scatter.add.f32 [tilespmem:s22], [sflag:$0x3], $0x80, s30, s20, $0xb8;
	[tilespmem:$0x1E800] =	vst v63  }
0x59: {  	_ =	swait.ge [sflag:s17], $0x4000  }
0x5a: {  	[sflag:s17] =	ssyncset.done $0x0  }
0x5b: {  	s31 =	simm.s32 $0x14180;
	s30 =	simm.s32 $0x400;
	[sflag:s17] =	ssyncadd.s32 $0xFFFFC000  }
.LBB2_7:
0x5c: {  	[tilespmem:s22], [sflag:$0x2] =	stream.indirect.gather [hbm4b:s4+s20], $0x80, s31, s20, $0xb8;
	[tilespmem:$0x1E800] =	vst v63  }
0x5d: {  	s31 =	smov.u32 s30  }
0x5e: {  	p1 =	sne.s32 s30, $0x4800;
	s30 =	sadd.s32 $0x400, s30;
	_ =	swait.ge [sflag:s23], $0x4000  }
0x5f: {  	s31 =	sshra.s32 s31, $0x2;
	[sflag:s23] =	ssyncset.done $0x0  }
0x60: {  	s0 =	sadd.s32 $0x15400, s31;
	[sflag:s23] =	ssyncadd.s32 $0xFFFFC000  }
0x61: {  	[spmem:s1] =	stream.indirect.scatter.add.f32 [tilespmem:s16], [sflag:$0x3], $0x80, s0, s20, $0xb8;
	[tilespmem:$0x1E800] =	vst v63  }
0x62: {  	_ =	swait.ge [sflag:s17], $0x4000  }
0x63: {  	[sflag:s17] =	ssyncset.done $0x0  }
0x64: {  	s0 =	sadd.s32 $0x14100, s31;
	[sflag:s17] =	ssyncadd.s32 $0xFFFFC000  }
0x65: {  	[tilespmem:s16], [sflag:$0x1] =	stream.indirect.gather [hbm4b:s4+s20], $0x80, s0, s20, $0xb8;
	[tilespmem:$0x1E800] =	vst v63  }
0x66: {  	_ =	swait.ge [sflag:s25], $0x4000  }
0x67: {  	[sflag:s25] =	ssyncset.done $0x0  }
.Ltmp3:
0x68: {  	s0 =	sadd.s32 $0x15480, s31;
	[sflag:s25] =	ssyncadd.s32 $0xFFFFC000;
	(pc) =	sbr.rel @p1 .LBB2_7-.Ltmp3, $4  }
0x69: {  	[spmem:s1] =	stream.indirect.scatter.add.f32 [tilespmem:s22], [sflag:$0x3], $0x80, s0, s20, $0xb8;
	[tilespmem:$0x1E800] =	vst v63  }
0x6a: {  	_ =	swait.ge [sflag:s17], $0x4000  }
0x6b: {  	[sflag:s17] =	ssyncset.done $0x0  }
0x6c: {  	s31 =	sadd.s32 $0x14180, s31;
	[sflag:s17] =	ssyncadd.s32 $0xFFFFC000  }
0x6d: {  	[tilespmem:s22], [sflag:$0x2] =	stream.indirect.gather [hbm4b:s4+s20], $0x80, s31, s20, $0xb8;
	[tilespmem:$0x1E800] =	vst v63  }
0x6e: {  	_ =	swait.ge [sflag:s23], $0x4000  }
0x6f: {  	[sflag:s23] =	ssyncset.done $0x0  }
0x70: {  	[sflag:s23] =	ssyncadd.s32 $0xFFFFC000  }
0x71: {  	[spmem:s1] =	stream.indirect.scatter.add.f32 [tilespmem:s16], [sflag:$0x3], $0x80, s26, s20, $0xb8;
	[tilespmem:$0x1E800] =	vst v63  }
0x72: {  	_ =	swait.ge [sflag:s17], $0x4000  }
0x73: {  	[sflag:s17] =	ssyncset.done $0x0  }
0x74: {  	[sflag:s17] =	ssyncadd.s32 $0xFFFFC000  }
0x75: {  	_ =	swait.ge [sflag:s25], $0x4000  }
0x76: {  	[sflag:s25] =	ssyncset.done $0x0  }
0x77: {  	[sflag:s25] =	ssyncadd.s32 $0xFFFFC000  }
0x78: {  	[spmem:s1] =	stream.indirect.scatter.add.f32 [tilespmem:s22], [sflag:$0x3], $0x80, s28, s20, $0xb8;
	[tilespmem:$0x1E800] =	vst v63  }
0x79: {  	_ =	swait.ge [sflag:s17], $0x4000  }
0x7a: {  	[sflag:s17] =	ssyncset.done $0x0  }
0x7b: {  	s0 =	simm.s32 $0x0;
	[sflag:s17] =	ssyncadd.s32 $0xFFFFC000  }
0x7c: {  	[tilespmem:s18], [sflag:$0x3] =	stream.linear.gather [hbm4b:s9+s0], $0x1400, $0x38;
	[tilespmem:$0x1E800] =	vst v63  }
0x7d: {  	_ =	swait.ge [sflag:s17], $0x1400  }
0x7e: {  	[sflag:s17] =	ssyncset.done $0x0  }
0x7f: {  	[sflag:s17] =	ssyncadd.s32 $0xFFFFEC00  }
0x80: {  	[tilespmem:s19], [sflag:$0x3] =	stream.linear.gather [hbm4b:s10+s0], $0x1400, $0x38;
	[tilespmem:$0x1E800] =	vst v63  }
0x81: {  	_ =	swait.ge [sflag:s17], $0x1400  }
0x82: {  	[sflag:s17] =	ssyncset.done $0x0  }
0x83: {  	[sflag:s17] =	ssyncadd.s32 $0xFFFFEC00  }
0x84: {  	[tilespmem:s16], [sflag:$0x1] =	stream.indirect.gather [hbm4b:s4+s20], $0x80, s18, s20, $0xb8;
	[tilespmem:$0x1E800] =	vst v63  }
0x85: {  	_ = 	snop  }
0x86: {  	[tilespmem:s22], [sflag:$0x2] =	stream.indirect.gather [hbm4b:s4+s20], $0x80, s21, s20, $0xb8;
	[tilespmem:$0x1E800] =	vst v63  }
0x87: {  	_ =	swait.ge [sflag:s23], $0x4000  }
0x88: {  	[sflag:s23] =	ssyncset.done $0x0  }
0x89: {  	s0 =	simm.s32 $0x15400;
	[sflag:s23] =	ssyncadd.s32 $0xFFFFC000  }
0x8a: {  	[spmem:s1] =	stream.indirect.scatter.add.f32 [tilespmem:s16], [sflag:$0x3], $0x80, s0, s20, $0xb8;
	[tilespmem:$0x1E800] =	vst v63  }
0x8b: {  	_ =	swait.ge [sflag:s17], $0x4000  }
0x8c: {  	[sflag:s17] =	ssyncset.done $0x0  }
0x8d: {  	s0 =	simm.s32 $0x14100;
	[sflag:s17] =	ssyncadd.s32 $0xFFFFC000  }
0x8e: {  	[tilespmem:s16], [sflag:$0x1] =	stream.indirect.gather [hbm4b:s4+s20], $0x80, s0, s20, $0xb8;
	[tilespmem:$0x1E800] =	vst v63  }
0x8f: {  	_ =	swait.ge [sflag:s25], $0x4000  }
0x90: {  	[sflag:s25] =	ssyncset.done $0x0  }
0x91: {  	s0 =	simm.s32 $0x15480;
	[sflag:s25] =	ssyncadd.s32 $0xFFFFC000  }
0x92: {  	[spmem:s1] =	stream.indirect.scatter.add.f32 [tilespmem:s22], [sflag:$0x3], $0x80, s0, s20, $0xb8;
	[tilespmem:$0x1E800] =	vst v63  }
0x93: {  	_ =	swait.ge [sflag:s17], $0x4000  }
0x94: {  	[sflag:s17] =	ssyncset.done $0x0  }
0x95: {  	s30 =	simm.s32 $0x400;
	s31 =	simm.s32 $0x14180;
	[sflag:s17] =	ssyncadd.s32 $0xFFFFC000  }
.LBB2_9:
0x96: {  	[tilespmem:s22], [sflag:$0x2] =	stream.indirect.gather [hbm4b:s4+s20], $0x80, s31, s20, $0xb8;
	[tilespmem:$0x1E800] =	vst v63  }
0x97: {  	s0 =	smov.u32 s30  }
0x98: {  	p1 =	sne.s32 s30, $0x4800;
	s30 =	sadd.s32 $0x400, s30;
	_ =	swait.ge [sflag:s23], $0x4000  }
0x99: {  	s0 =	sshra.s32 s0, $0x2;
	[sflag:s23] =	ssyncset.done $0x0  }
0x9a: {  	s31 =	sadd.s32 $0x15400, s0;
	[sflag:s23] =	ssyncadd.s32 $0xFFFFC000  }
0x9b: {  	[spmem:s1] =	stream.indirect.scatter.add.f32 [tilespmem:s16], [sflag:$0x3], $0x80, s31, s20, $0xb8;
	[tilespmem:$0x1E800] =	vst v63  }
0x9c: {  	_ =	swait.ge [sflag:s17], $0x4000  }
0x9d: {  	[sflag:s17] =	ssyncset.done $0x0  }
0x9e: {  	s31 =	sadd.s32 $0x14100, s0;
	[sflag:s17] =	ssyncadd.s32 $0xFFFFC000  }
0x9f: {  	[tilespmem:s16], [sflag:$0x1] =	stream.indirect.gather [hbm4b:s4+s20], $0x80, s31, s20, $0xb8;
	[tilespmem:$0x1E800] =	vst v63  }
0xa0: {  	_ =	swait.ge [sflag:s25], $0x4000  }
0xa1: {  	[sflag:s25] =	ssyncset.done $0x0  }
.Ltmp4:
0xa2: {  	s31 =	sadd.s32 $0x15480, s0;
	[sflag:s25] =	ssyncadd.s32 $0xFFFFC000;
	(pc) =	sbr.rel @p1 .LBB2_9-.Ltmp4, $4  }
0xa3: {  	[spmem:s1] =	stream.indirect.scatter.add.f32 [tilespmem:s22], [sflag:$0x3], $0x80, s31, s20, $0xb8;
	[tilespmem:$0x1E800] =	vst v63  }
0xa4: {  	_ =	swait.ge [sflag:s17], $0x4000  }
0xa5: {  	[sflag:s17] =	ssyncset.done $0x0  }
0xa6: {  	s31 =	sadd.s32 $0x14180, s0;
	[sflag:s17] =	ssyncadd.s32 $0xFFFFC000  }
0xa7: {  	[tilespmem:s22], [sflag:$0x2] =	stream.indirect.gather [hbm4b:s4+s20], $0x80, s31, s20, $0xb8;
	[tilespmem:$0x1E800] =	vst v63  }
0xa8: {  	_ =	swait.ge [sflag:s23], $0x4000  }
0xa9: {  	[sflag:s23] =	ssyncset.done $0x0  }
0xaa: {  	[sflag:s23] =	ssyncadd.s32 $0xFFFFC000  }
0xab: {  	[spmem:s1] =	stream.indirect.scatter.add.f32 [tilespmem:s16], [sflag:$0x3], $0x80, s26, s20, $0xb8;
	[tilespmem:$0x1E800] =	vst v63  }
0xac: {  	_ =	swait.ge [sflag:s17], $0x4000  }
0xad: {  	[sflag:s17] =	ssyncset.done $0x0  }
0xae: {  	[sflag:s17] =	ssyncadd.s32 $0xFFFFC000  }
0xaf: {  	_ =	swait.ge [sflag:s25], $0x4000  }
0xb0: {  	[sflag:s25] =	ssyncset.done $0x0  }
0xb1: {  	[sflag:s25] =	ssyncadd.s32 $0xFFFFC000  }
0xb2: {  	[spmem:s1] =	stream.indirect.scatter.add.f32 [tilespmem:s22], [sflag:$0x3], $0x80, s28, s20, $0xb8;
	[tilespmem:$0x1E800] =	vst v63  }
0xb3: {  	_ =	swait.ge [sflag:s17], $0x4000  }
0xb4: {  	s0 =	sshll.u32 s3, $0x6;
	s29 =	sadd.s32 $0x1, s29;
	[sflag:s17] =	ssyncset.done $0x0  }
0xb5: {  	s30 =	sshrl.u32 s5, $0x3;
	p1 =	sne.s32 s29, s11;
	[sflag:s17] =	ssyncadd.s32 $0xFFFFC000  }
.Ltmp5:
0xb6: {  	s0 =	sor.u32 $0x1C03, s0;
	[bflag:$0x0] =	sbarrier.arrive $0xFFFF;
	(pc) =	sbr.rel @p1 .LBB2_1-.Ltmp5, $4  }
0xb7: {  	[hbm:s24], [sflag:s0] =	dma.local [spmem:s30], $0x2800  }
0xb8: {  	_ =	swait.ge [sflag:s17], $0x2800  }
0xb9: {  	[sflag:s17] =	ssyncset.done $0x0  }
0xba: {  	[sflag:s17] =	ssyncadd.s32 $0xFFFFD800  }
0xbb: {  	_ =	sfence.sel $0x180000  }
0xbc: {  	[bflag:$0x0] =	sbarrier.arrive $0xFFFF  }
0xbd: {  	_ =	strace $0x9000004A  }
0xbe: {  	[bflag:$0x2] =	sbarrier.arrive $0xFFFF  }
0xbf: {  	p0 =	sne.s32 s3, $0x0;
	s0 =	rddreg [dreg:$0x3]  }
0xc0: {  	s0 =	sadd.s32 @!p0 $0x100000, s0  }
0xc1: {  	[sflag:s0] =	ssyncadd.tile.s32 @!p0 $0x1;
	_ =	shalt  }
.Lfunc_end2:
_tile_overlayer_lowered:
.L_overlay_start_2:
0xc2: {  	(tag) =	ssettag $0x2  }
0xc3: {  	s0 =	rddreg [dreg:$0x0];
	s2 =	stileid.u32  }
0xc4: {  	s1 =	rddreg [dreg:$0x1];
	p0 =	sne.s32 s2, $0x0  }
0xc5: {  	s3 =	rddreg [dreg:$0x2];
	[bflag:$0x3] =	sbarrier.arrive $0xFFFF;
	s2 =	simm.s32 @!p0 $0x1C03  }
0xc6: {  	[timem:s3], [sflag:s2] =	dma.local @!p0 [hbm:s0], s1  }
0xc7: {  	s0 =	simm.s32 @!p0 $0x3  }
0xc8: {  	_ =	swait.ge @!p0 [sflag:s0], s1  }
0xc9: {  	s1 =	ssub.s32 @!p0 $0x0, s1;
	[sflag:s0] =	ssyncset.done @!p0 $0x0  }
0xca: {  	[sflag:s0] =	ssyncadd.s32 @!p0 s1  }
0xcb: {  	[bflag:$0x3] =	sbarrier.arrive $0xFFFF  }
0xcc: {  	_ =	shalt  }

</sc_bundles>
